<compile_context>
chip_gen: v7x
topology: tpu7x:2x2x1
jax: 0.10.2.dev20260603
libtpu: 0.0.44.dev20260713+nightly
codegen_flags: <defaults>
</compile_context>

<pallas_src>
import functools

import jax
import jax.numpy as jnp
from jax import lax
from jax.experimental import pallas as pl
from jax.experimental.pallas import tpu as pltpu
from jax.experimental.pallas import tpu_sc as plsc

B = 8
HW = 160 * 160
L = 16
NSLICES = HW // L
K = 512
EPS = 1e-7
MAXBITS = 0x3F7FFFFF


def _count_ge(ref, thresh, unroll=16):
    tv = jnp.full((L,), thresh, jnp.int32)
    zero = jnp.zeros((L,), jnp.int32)
    one = jnp.ones((L,), jnp.int32)

    def body(i, accs):
        accs = list(accs)
        base = i * (unroll * L)
        for j in range(unroll):
            v = ref[pl.ds(base + j * L, L)]
            accs[j % 4] = accs[j % 4] + jnp.where(v >= tv, one, zero)
        return tuple(accs)

    accs = lax.fori_loop(0, NSLICES // unroll, body, (zero, zero, zero, zero))
    return jnp.sum(accs[0] + accs[1] + accs[2] + accs[3])


def _search(ref, k):
    def step(_, lohi):
        lo, hi = lohi
        mid = lax.shift_right_logical(lo + hi + 1, 1)
        big = _count_ge(ref, mid) >= k
        return (jnp.where(big, mid, lo), jnp.where(big, hi, mid - 1))

    lo, _ = lax.fori_loop(0, 30, step, (jnp.int32(0), jnp.int32(MAXBITS)))
    return lo


def _fots_body(pos_hbm, conf_hbm, cb_hbm, rvb_hbm, out_hbm,
               a_ref, c_ref, d_ref, r_ref, o_ref):
    wid = lax.axis_index("s") * 2 + lax.axis_index("c")

    @pl.when(wid < B)
    def _():
        pltpu.sync_copy(pos_hbm.at[wid], a_ref)
        pltpu.sync_copy(conf_hbm.at[wid], c_ref)
        pltpu.sync_copy(cb_hbm.at[wid], d_ref)
        pltpu.sync_copy(rvb_hbm.at[wid], r_ref)

        zi = jnp.zeros((L,), jnp.int32)
        zf = jnp.zeros((L,), jnp.float32)
        neg1 = jnp.full((L,), -1, jnp.int32)

        def p0(i, carry):
            np_acc, ps_acc = carry
            for j in range(8):
                sl = pl.ds(i * (8 * L) + j * L, L)
                p = a_ref[sl]
                cv = c_ref[sl]
                pm = p > zi
                np_acc = np_acc + p
                ps_acc = ps_acc + jnp.where(pm, cv, zf)
                d_ref[sl] = jnp.where(pm, neg1, d_ref[sl])
            return np_acc, ps_acc

        np_acc, ps_acc = lax.fori_loop(0, NSLICES // 8, p0, (zi, zf))
        n_pos = jnp.sum(np_acc).astype(jnp.float32)
        pos_sum = jnp.sum(ps_acc)

        t1 = _search(d_ref, K)
        t1v = jnp.full((L,), t1, jnp.int32)

        def p1(i, hs_acc):
            for j in range(8):
                sl = pl.ds(i * (8 * L) + j * L, L)
                mcb = d_ref[sl]
                cv = c_ref[sl]
                rb = r_ref[sl]
                hs_acc = hs_acc + jnp.where(mcb >= t1v, cv, zf)
                rem = (mcb >= zi) & (mcb < t1v)
                r_ref[sl] = jnp.where(rem, rb, neg1)
            return hs_acc

        hard_sum = jnp.sum(lax.fori_loop(0, NSLICES // 8, p1, zf))

        t2 = _search(r_ref, K)
        t2v = jnp.full((L,), t2, jnp.int32)

        def p2(i, rs_acc):
            for j in range(8):
                sl = pl.ds(i * (8 * L) + j * L, L)
                mrv = r_ref[sl]
                cv = c_ref[sl]
                rs_acc = rs_acc + jnp.where(mrv >= t2v, cv, zf)
            return rs_acc

        rand_sum = jnp.sum(lax.fori_loop(0, NSLICES // 8, p2, zf))

        eps = jnp.full((L,), EPS, jnp.float32)
        one = jnp.ones((L,), jnp.float32)
        two = jnp.full((L,), 2.0, jnp.float32)
        ps_v = jnp.full((L,), pos_sum, jnp.float32)
        np_v = jnp.full((L,), n_pos, jnp.float32)
        hs_v = jnp.full((L,), hard_sum, jnp.float32)
        rs_v = jnp.full((L,), rand_sum, jnp.float32)
        pos_loss = one - two * (ps_v + eps) / (ps_v + np_v + eps)
        hard_loss = one - two * eps / (hs_v + eps)
        rand_loss = one - two * eps / (rs_v + eps)
        loss = (pos_loss + hard_loss + rand_loss) / jnp.full((L,), 2 * K, jnp.float32)

        o_ref[...] = loss
        pltpu.sync_copy(o_ref, out_hbm.at[wid])


_fots = functools.partial(
    pl.kernel,
    out_type=jax.ShapeDtypeStruct((B, L), jnp.float32),
    mesh=plsc.VectorSubcoreMesh(core_axis_name="c", subcore_axis_name="s"),
    scratch_types=[
        pltpu.VMEM((HW,), jnp.int32),
        pltpu.VMEM((HW,), jnp.float32),
        pltpu.VMEM((HW,), jnp.int32),
        pltpu.VMEM((HW,), jnp.int32),
        pltpu.VMEM((L,), jnp.float32),
    ],
    compiler_params=pltpu.CompilerParams(needs_layout_passes=False),
)(_fots_body)


def kernel(pos_indicator, pred_confs, rand_vals):
    pos_i = pos_indicator.reshape(B, HW).astype(jnp.int32)
    conf = pred_confs.reshape(B, HW)
    cb = lax.bitcast_convert_type(conf, jnp.int32)
    rvb = lax.bitcast_convert_type(rand_vals, jnp.int32)
    out = _fots(pos_i, conf, cb, rvb)
    return out[:, 0]

# --- scband reference (transcript-rebuilt; emitter-appended) ---
"""Pipeline reference for scband-fotsloss-26302379720776 (READ-ONLY COPY).

The authoritative reference and input builder live on the scoring server;
editing this copy changes nothing except your own understanding.
"""

import jax, jax.numpy as jnp
import numpy as np

EPS = 1e-07
HARD_NEG = 512
RAND_NEG = 512


def setup_inputs(seed: int = 0) -> dict:
    key = jax.random.key(seed)
    k1, k2, k3 = jax.random.split(key, 3)
    B, H, W = 8, 160, 160
    pos_indicator = jax.random.randint(k1, (B, H, W), 0, 2).astype(jnp.bool_)
    pred_confs = jax.random.uniform(k2, (B, H, W, 1), dtype=jnp.float32)
    # auxiliary noise used for the 'random negative' sampling stage of OHEM
    rand_vals = jax.random.uniform(k3, (B, H * W), dtype=jnp.float32)
    return {"pos_indicator": pos_indicator, "pred_confs": pred_confs, "rand_vals": rand_vals}


def _per_sample_loss(p, c, rv):
    # p: bool[HW] positive indicator, c: float[HW] confidences, rv: float[HW] sampling noise
    # dice loss on positives against target=1:
    #   intersection = sum(c_pos) + eps ; union = sum(c_pos) + n_pos + eps
    n_pos = jnp.sum(p.astype(jnp.float32))
    pos_sum = jnp.sum(jnp.where(p, c, 0.0))
    pos_loss = 1.0 - 2.0 * (pos_sum + EPS) / (pos_sum + n_pos + EPS)
    # OHEM: hard negatives = top-HARD_NEG negative confidences
    neg = jnp.logical_not(p)
    neg_scores = jnp.where(neg, c, -jnp.inf)
    hard_vals, hard_idx = jax.lax.top_k(neg_scores, HARD_NEG)
    # dice vs target=0: intersection = eps ; union = sum(c_hard) + eps
    hard_loss = 1.0 - 2.0 * EPS / (jnp.sum(hard_vals) + EPS)
    # random negatives: RAND_NEG uniformly random picks among remaining negatives
    remaining = neg.at[hard_idx].set(False)
    r_scores = jnp.where(remaining, rv, -jnp.inf)
    _, rand_idx = jax.lax.top_k(r_scores, RAND_NEG)
    rand_sum = jnp.sum(c[rand_idx])
    rand_loss = 1.0 - 2.0 * EPS / (rand_sum + EPS)
    sample_nums = HARD_NEG + RAND_NEG
    return (pos_loss + hard_loss + rand_loss) / sample_nums


def reference(pos_indicator, pred_confs, rand_vals):
    B, H, W = pos_indicator.shape
    confs = pred_confs.reshape(B, H * W)
    pos = pos_indicator.reshape(B, H * W)
    losses = [_per_sample_loss(pos[b], confs[b], rand_vals[b]) for b in range(B)]
    return jnp.stack(losses)

if __name__ == "__main__":
    import jax
    _d = setup_inputs()
    print(jax.jit(kernel)(*tuple(_d.values())))

</pallas_src>

<mosaic_0001>
#map = affine_map<(d0, d1) -> (0, 0)>
module attributes {stable_mosaic.version = 14 : i64} {
  func.func @_fots_body(%arg0: i32, %arg1: i32, %arg2: memref<8x25600xi32, #tpu.memory_space<hbm>>, %arg3: memref<8x25600xf32, #tpu.memory_space<hbm>>, %arg4: memref<8x25600xi32, #tpu.memory_space<hbm>>, %arg5: memref<8x25600xi32, #tpu.memory_space<hbm>>, %arg6: memref<8x16xf32, #tpu.memory_space<hbm>>, %arg7: memref<25600xi32, #tpu.memory_space<vmem>>, %arg8: memref<25600xf32, #tpu.memory_space<vmem>>, %arg9: memref<25600xi32, #tpu.memory_space<vmem>>, %arg10: memref<25600xi32, #tpu.memory_space<vmem>>, %arg11: memref<16xf32, #tpu.memory_space<vmem>>) attributes {dimension_semantics = [#tpu.dimension_semantics<core_parallel>, #tpu.dimension_semantics<subcore_parallel>], iteration_bounds = array<i64: 2, 16>, scalar_prefetch = 0 : i64, scratch_operands = 5 : i64, tpu.core_type = #tpu.core_type<sc_vector_subcore>, window_params = [{transform_indices = #map}, {transform_indices = #map}, {transform_indices = #map}, {transform_indices = #map}, {transform_indices = #map}]} {
    %mul3A = arith.constant 2 : i32
    %mul3A_0 = arith.muli %arg1, %mul3A : i32
    %add3A = arith.addi %mul3A_0, %arg0 : i32
    %lt3A = arith.constant 8 : i32
    %lt3A_1 = arith.cmpi slt, %add3A, %lt3A : i32
    %convert_element_type3A = arith.extui %lt3A_1 : i1 to i32
    %cond3A = arith.constant 0 : i32
    %cond3A_2 = arith.cmpi ne, %convert_element_type3A, %cond3A : i32
    scf.if %cond3A_2 {
      "tpu.region"() ({
        %run_scoped3A = tpu.sem_alloc : memref<!tpu.dma_semaphore, #tpu.memory_space<semaphore_mem>>
        %dma_start3A = arith.constant 0 : i32
        %dma_start3A_87 = tpu.memref_slice %arg2[%add3A, %dma_start3A] : memref<8x25600xi32, #tpu.memory_space<hbm>> -> memref<1x25600xi32, #tpu.memory_space<hbm>>
        %dma_start3A_88 = tpu.memref_squeeze %dma_start3A_87 : memref<1x25600xi32, #tpu.memory_space<hbm>> -> memref<25600xi32, #tpu.memory_space<hbm>>
        %dma_start3A_89 = arith.constant 0 : i32
        %dma_start3A_90 = tpu.memref_slice %arg2[%add3A, %dma_start3A_89] : memref<8x25600xi32, #tpu.memory_space<hbm>> -> memref<1x25600xi32, #tpu.memory_space<hbm>>
        %dma_start3A_91 = tpu.memref_squeeze %dma_start3A_90 : memref<1x25600xi32, #tpu.memory_space<hbm>> -> memref<25600xi32, #tpu.memory_space<hbm>>
        tpu.enqueue_dma source(%dma_start3A_91 : memref<25600xi32, #tpu.memory_space<hbm>>) target(%arg7 : memref<25600xi32, #tpu.memory_space<vmem>>) target_semaphore(%run_scoped3A : memref<!tpu.dma_semaphore, #tpu.memory_space<semaphore_mem>>)
        %dma_wait3A = arith.constant 0 : i32
        %dma_wait3A_92 = tpu.memref_slice %arg2[%add3A, %dma_wait3A] : memref<8x25600xi32, #tpu.memory_space<hbm>> -> memref<1x25600xi32, #tpu.memory_space<hbm>>
        %dma_wait3A_93 = tpu.memref_squeeze %dma_wait3A_92 : memref<1x25600xi32, #tpu.memory_space<hbm>> -> memref<25600xi32, #tpu.memory_space<hbm>>
        %dma_wait3A_94 = arith.constant 0 : i32
        %dma_wait3A_95 = tpu.memref_slice %arg2[%add3A, %dma_wait3A_94] : memref<8x25600xi32, #tpu.memory_space<hbm>> -> memref<1x25600xi32, #tpu.memory_space<hbm>>
        %dma_wait3A_96 = tpu.memref_squeeze %dma_wait3A_95 : memref<1x25600xi32, #tpu.memory_space<hbm>> -> memref<25600xi32, #tpu.memory_space<hbm>>
        tpu.wait_dma2 semaphore(%run_scoped3A : memref<!tpu.dma_semaphore, #tpu.memory_space<semaphore_mem>>) src(%dma_wait3A_96 : memref<25600xi32, #tpu.memory_space<hbm>>) dst(%arg7 : memref<25600xi32, #tpu.memory_space<vmem>>)
        tpu.yield
      }) : () -> ()
      "tpu.region"() ({
        %run_scoped3A = tpu.sem_alloc : memref<!tpu.dma_semaphore, #tpu.memory_space<semaphore_mem>>
        %dma_start3A = arith.constant 0 : i32
        %dma_start3A_87 = tpu.memref_slice %arg3[%add3A, %dma_start3A] : memref<8x25600xf32, #tpu.memory_space<hbm>> -> memref<1x25600xf32, #tpu.memory_space<hbm>>
        %dma_start3A_88 = tpu.memref_squeeze %dma_start3A_87 : memref<1x25600xf32, #tpu.memory_space<hbm>> -> memref<25600xf32, #tpu.memory_space<hbm>>
        %dma_start3A_89 = arith.constant 0 : i32
        %dma_start3A_90 = tpu.memref_slice %arg3[%add3A, %dma_start3A_89] : memref<8x25600xf32, #tpu.memory_space<hbm>> -> memref<1x25600xf32, #tpu.memory_space<hbm>>
        %dma_start3A_91 = tpu.memref_squeeze %dma_start3A_90 : memref<1x25600xf32, #tpu.memory_space<hbm>> -> memref<25600xf32, #tpu.memory_space<hbm>>
        tpu.enqueue_dma source(%dma_start3A_91 : memref<25600xf32, #tpu.memory_space<hbm>>) target(%arg8 : memref<25600xf32, #tpu.memory_space<vmem>>) target_semaphore(%run_scoped3A : memref<!tpu.dma_semaphore, #tpu.memory_space<semaphore_mem>>)
        %dma_wait3A = arith.constant 0 : i32
        %dma_wait3A_92 = tpu.memref_slice %arg3[%add3A, %dma_wait3A] : memref<8x25600xf32, #tpu.memory_space<hbm>> -> memref<1x25600xf32, #tpu.memory_space<hbm>>
        %dma_wait3A_93 = tpu.memref_squeeze %dma_wait3A_92 : memref<1x25600xf32, #tpu.memory_space<hbm>> -> memref<25600xf32, #tpu.memory_space<hbm>>
        %dma_wait3A_94 = arith.constant 0 : i32
        %dma_wait3A_95 = tpu.memref_slice %arg3[%add3A, %dma_wait3A_94] : memref<8x25600xf32, #tpu.memory_space<hbm>> -> memref<1x25600xf32, #tpu.memory_space<hbm>>
        %dma_wait3A_96 = tpu.memref_squeeze %dma_wait3A_95 : memref<1x25600xf32, #tpu.memory_space<hbm>> -> memref<25600xf32, #tpu.memory_space<hbm>>
        tpu.wait_dma2 semaphore(%run_scoped3A : memref<!tpu.dma_semaphore, #tpu.memory_space<semaphore_mem>>) src(%dma_wait3A_96 : memref<25600xf32, #tpu.memory_space<hbm>>) dst(%arg8 : memref<25600xf32, #tpu.memory_space<vmem>>)
        tpu.yield
      }) : () -> ()
      "tpu.region"() ({
        %run_scoped3A = tpu.sem_alloc : memref<!tpu.dma_semaphore, #tpu.memory_space<semaphore_mem>>
        %dma_start3A = arith.constant 0 : i32
        %dma_start3A_87 = tpu.memref_slice %arg4[%add3A, %dma_start3A] : memref<8x25600xi32, #tpu.memory_space<hbm>> -> memref<1x25600xi32, #tpu.memory_space<hbm>>
        %dma_start3A_88 = tpu.memref_squeeze %dma_start3A_87 : memref<1x25600xi32, #tpu.memory_space<hbm>> -> memref<25600xi32, #tpu.memory_space<hbm>>
        %dma_start3A_89 = arith.constant 0 : i32
        %dma_start3A_90 = tpu.memref_slice %arg4[%add3A, %dma_start3A_89] : memref<8x25600xi32, #tpu.memory_space<hbm>> -> memref<1x25600xi32, #tpu.memory_space<hbm>>
        %dma_start3A_91 = tpu.memref_squeeze %dma_start3A_90 : memref<1x25600xi32, #tpu.memory_space<hbm>> -> memref<25600xi32, #tpu.memory_space<hbm>>
        tpu.enqueue_dma source(%dma_start3A_91 : memref<25600xi32, #tpu.memory_space<hbm>>) target(%arg9 : memref<25600xi32, #tpu.memory_space<vmem>>) target_semaphore(%run_scoped3A : memref<!tpu.dma_semaphore, #tpu.memory_space<semaphore_mem>>)
        %dma_wait3A = arith.constant 0 : i32
        %dma_wait3A_92 = tpu.memref_slice %arg4[%add3A, %dma_wait3A] : memref<8x25600xi32, #tpu.memory_space<hbm>> -> memref<1x25600xi32, #tpu.memory_space<hbm>>
        %dma_wait3A_93 = tpu.memref_squeeze %dma_wait3A_92 : memref<1x25600xi32, #tpu.memory_space<hbm>> -> memref<25600xi32, #tpu.memory_space<hbm>>
        %dma_wait3A_94 = arith.constant 0 : i32
        %dma_wait3A_95 = tpu.memref_slice %arg4[%add3A, %dma_wait3A_94] : memref<8x25600xi32, #tpu.memory_space<hbm>> -> memref<1x25600xi32, #tpu.memory_space<hbm>>
        %dma_wait3A_96 = tpu.memref_squeeze %dma_wait3A_95 : memref<1x25600xi32, #tpu.memory_space<hbm>> -> memref<25600xi32, #tpu.memory_space<hbm>>
        tpu.wait_dma2 semaphore(%run_scoped3A : memref<!tpu.dma_semaphore, #tpu.memory_space<semaphore_mem>>) src(%dma_wait3A_96 : memref<25600xi32, #tpu.memory_space<hbm>>) dst(%arg9 : memref<25600xi32, #tpu.memory_space<vmem>>)
        tpu.yield
      }) : () -> ()
      "tpu.region"() ({
        %run_scoped3A = tpu.sem_alloc : memref<!tpu.dma_semaphore, #tpu.memory_space<semaphore_mem>>
        %dma_start3A = arith.constant 0 : i32
        %dma_start3A_87 = tpu.memref_slice %arg5[%add3A, %dma_start3A] : memref<8x25600xi32, #tpu.memory_space<hbm>> -> memref<1x25600xi32, #tpu.memory_space<hbm>>
        %dma_start3A_88 = tpu.memref_squeeze %dma_start3A_87 : memref<1x25600xi32, #tpu.memory_space<hbm>> -> memref<25600xi32, #tpu.memory_space<hbm>>
        %dma_start3A_89 = arith.constant 0 : i32
        %dma_start3A_90 = tpu.memref_slice %arg5[%add3A, %dma_start3A_89] : memref<8x25600xi32, #tpu.memory_space<hbm>> -> memref<1x25600xi32, #tpu.memory_space<hbm>>
        %dma_start3A_91 = tpu.memref_squeeze %dma_start3A_90 : memref<1x25600xi32, #tpu.memory_space<hbm>> -> memref<25600xi32, #tpu.memory_space<hbm>>
        tpu.enqueue_dma source(%dma_start3A_91 : memref<25600xi32, #tpu.memory_space<hbm>>) target(%arg10 : memref<25600xi32, #tpu.memory_space<vmem>>) target_semaphore(%run_scoped3A : memref<!tpu.dma_semaphore, #tpu.memory_space<semaphore_mem>>)
        %dma_wait3A = arith.constant 0 : i32
        %dma_wait3A_92 = tpu.memref_slice %arg5[%add3A, %dma_wait3A] : memref<8x25600xi32, #tpu.memory_space<hbm>> -> memref<1x25600xi32, #tpu.memory_space<hbm>>
        %dma_wait3A_93 = tpu.memref_squeeze %dma_wait3A_92 : memref<1x25600xi32, #tpu.memory_space<hbm>> -> memref<25600xi32, #tpu.memory_space<hbm>>
        %dma_wait3A_94 = arith.constant 0 : i32
        %dma_wait3A_95 = tpu.memref_slice %arg5[%add3A, %dma_wait3A_94] : memref<8x25600xi32, #tpu.memory_space<hbm>> -> memref<1x25600xi32, #tpu.memory_space<hbm>>
        %dma_wait3A_96 = tpu.memref_squeeze %dma_wait3A_95 : memref<1x25600xi32, #tpu.memory_space<hbm>> -> memref<25600xi32, #tpu.memory_space<hbm>>
        tpu.wait_dma2 semaphore(%run_scoped3A : memref<!tpu.dma_semaphore, #tpu.memory_space<semaphore_mem>>) src(%dma_wait3A_96 : memref<25600xi32, #tpu.memory_space<hbm>>) dst(%arg10 : memref<25600xi32, #tpu.memory_space<vmem>>)
        tpu.yield
      }) : () -> ()
      %broadcast_in_dim3A = arith.constant 0 : i32
      %broadcast_in_dim3A_3 = vector.broadcast %broadcast_in_dim3A : i32 to vector<16xi32>
      %broadcast_in_dim3A_4 = arith.constant 0.000000e+00 : f32
      %broadcast_in_dim3A_5 = vector.broadcast %broadcast_in_dim3A_4 : f32 to vector<16xf32>
      %broadcast_in_dim3A_6 = arith.constant -1 : i32
      %broadcast_in_dim3A_7 = vector.broadcast %broadcast_in_dim3A_6 : i32 to vector<16xi32>
      %scan3A = arith.constant 0 : i32
      %scan3A_8 = arith.constant 200 : i32
      %scan3A_9 = arith.addi %scan3A, %scan3A_8 : i32
      %scan3A_10 = arith.constant 1 : i32
      %scan3A_11:2 = scf.for %scan3A_87 = %scan3A to %scan3A_9 step %scan3A_10 iter_args(%scan3A_88 = %broadcast_in_dim3A_3, %scan3A_89 = %broadcast_in_dim3A_5) -> (vector<16xi32>, vector<16xf32>)  : i32 {
        %mul3A_90 = arith.constant 128 : i32
        %mul3A_91 = arith.muli %scan3A_87, %mul3A_90 : i32
        %add3A_92 = arith.constant 0 : i32
        %add3A_93 = arith.addi %mul3A_91, %add3A_92 : i32
        %get3A = arith.index_cast %add3A_93 : i32 to index
        %get3A_94 = tpu.vector_load %arg7[%get3A] {strides = array<i32>} : memref<25600xi32, #tpu.memory_space<vmem>>, vector<16xi32>,
        %get3A_95 = arith.index_cast %add3A_93 : i32 to index
        %get3A_96 = tpu.vector_load %arg8[%get3A_95] {strides = array<i32>} : memref<25600xf32, #tpu.memory_space<vmem>>, vector<16xf32>,
        %gt3A = arith.cmpi sgt, %get3A_94, %broadcast_in_dim3A_3 : vector<16xi32>
        %add3A_97 = arith.addi %scan3A_88, %get3A_94 : vector<16xi32>
        %select_n3A = arith.select %gt3A, %get3A_96, %broadcast_in_dim3A_5 : vector<16xi1>, vector<16xf32>
        %add3A_98 = arith.addf %scan3A_89, %select_n3A : vector<16xf32>
        %get3A_99 = arith.index_cast %add3A_93 : i32 to index
        %get3A_100 = tpu.vector_load %arg9[%get3A_99] {strides = array<i32>} : memref<25600xi32, #tpu.memory_space<vmem>>, vector<16xi32>,
        %select_n3A_101 = arith.select %gt3A, %broadcast_in_dim3A_7, %get3A_100 : vector<16xi1>, vector<16xi32>
        %swap3A_102 = arith.index_cast %add3A_93 : i32 to index
        %swap3A_103 = tpu.vector_load %arg9[%swap3A_102] {strides = array<i32>} : memref<25600xi32, #tpu.memory_space<vmem>>, vector<16xi32>,
        tpu.vector_store %arg9[%swap3A_102], %select_n3A_101 {strides = array<i32>} : memref<25600xi32, #tpu.memory_space<vmem>>, vector<16xi32>,
        %mul3A_104 = arith.constant 128 : i32
        %mul3A_105 = arith.muli %scan3A_87, %mul3A_104 : i32
        %add3A_106 = arith.constant 16 : i32
        %add3A_107 = arith.addi %mul3A_105, %add3A_106 : i32
        %get3A_108 = arith.index_cast %add3A_107 : i32 to index
        %get3A_109 = tpu.vector_load %arg7[%get3A_108] {strides = array<i32>} : memref<25600xi32, #tpu.memory_space<vmem>>, vector<16xi32>,
        %get3A_110 = arith.index_cast %add3A_107 : i32 to index
        %get3A_111 = tpu.vector_load %arg8[%get3A_110] {strides = array<i32>} : memref<25600xf32, #tpu.memory_space<vmem>>, vector<16xf32>,
        %gt3A_112 = arith.cmpi sgt, %get3A_109, %broadcast_in_dim3A_3 : vector<16xi32>
        %add3A_113 = arith.addi %add3A_97, %get3A_109 : vector<16xi32>
        %select_n3A_114 = arith.select %gt3A_112, %get3A_111, %broadcast_in_dim3A_5 : vector<16xi1>, vector<16xf32>
        %add3A_115 = arith.addf %add3A_98, %select_n3A_114 : vector<16xf32>
        %get3A_116 = arith.index_cast %add3A_107 : i32 to index
        %get3A_117 = tpu.vector_load %arg9[%get3A_116] {strides = array<i32>} : memref<25600xi32, #tpu.memory_space<vmem>>, vector<16xi32>,
        %select_n3A_118 = arith.select %gt3A_112, %broadcast_in_dim3A_7, %get3A_117 : vector<16xi1>, vector<16xi32>
        %swap3A_119 = arith.index_cast %add3A_107 : i32 to index
        %swap3A_120 = tpu.vector_load %arg9[%swap3A_119] {strides = array<i32>} : memref<25600xi32, #tpu.memory_space<vmem>>, vector<16xi32>,
        tpu.vector_store %arg9[%swap3A_119], %select_n3A_118 {strides = array<i32>} : memref<25600xi32, #tpu.memory_space<vmem>>, vector<16xi32>,
        %mul3A_121 = arith.constant 128 : i32
        %mul3A_122 = arith.muli %scan3A_87, %mul3A_121 : i32
        %add3A_123 = arith.constant 32 : i32
        %add3A_124 = arith.addi %mul3A_122, %add3A_123 : i32
        %get3A_125 = arith.index_cast %add3A_124 : i32 to index
        %get3A_126 = tpu.vector_load %arg7[%get3A_125] {strides = array<i32>} : memref<25600xi32, #tpu.memory_space<vmem>>, vector<16xi32>,
        %get3A_127 = arith.index_cast %add3A_124 : i32 to index
        %get3A_128 = tpu.vector_load %arg8[%get3A_127] {strides = array<i32>} : memref<25600xf32, #tpu.memory_space<vmem>>, vector<16xf32>,
        %gt3A_129 = arith.cmpi sgt, %get3A_126, %broadcast_in_dim3A_3 : vector<16xi32>
        %add3A_130 = arith.addi %add3A_113, %get3A_126 : vector<16xi32>
        %select_n3A_131 = arith.select %gt3A_129, %get3A_128, %broadcast_in_dim3A_5 : vector<16xi1>, vector<16xf32>
        %add3A_132 = arith.addf %add3A_115, %select_n3A_131 : vector<16xf32>
        %get3A_133 = arith.index_cast %add3A_124 : i32 to index
        %get3A_134 = tpu.vector_load %arg9[%get3A_133] {strides = array<i32>} : memref<25600xi32, #tpu.memory_space<vmem>>, vector<16xi32>,
        %select_n3A_135 = arith.select %gt3A_129, %broadcast_in_dim3A_7, %get3A_134 : vector<16xi1>, vector<16xi32>
        %swap3A_136 = arith.index_cast %add3A_124 : i32 to index
        %swap3A_137 = tpu.vector_load %arg9[%swap3A_136] {strides = array<i32>} : memref<25600xi32, #tpu.memory_space<vmem>>, vector<16xi32>,
        tpu.vector_store %arg9[%swap3A_136], %select_n3A_135 {strides = array<i32>} : memref<25600xi32, #tpu.memory_space<vmem>>, vector<16xi32>,
        %mul3A_138 = arith.constant 128 : i32
        %mul3A_139 = arith.muli %scan3A_87, %mul3A_138 : i32
        %add3A_140 = arith.constant 48 : i32
        %add3A_141 = arith.addi %mul3A_139, %add3A_140 : i32
        %get3A_142 = arith.index_cast %add3A_141 : i32 to index
        %get3A_143 = tpu.vector_load %arg7[%get3A_142] {strides = array<i32>} : memref<25600xi32, #tpu.memory_space<vmem>>, vector<16xi32>,
        %get3A_144 = arith.index_cast %add3A_141 : i32 to index
        %get3A_145 = tpu.vector_load %arg8[%get3A_144] {strides = array<i32>} : memref<25600xf32, #tpu.memory_space<vmem>>, vector<16xf32>,
        %gt3A_146 = arith.cmpi sgt, %get3A_143, %broadcast_in_dim3A_3 : vector<16xi32>
        %add3A_147 = arith.addi %add3A_130, %get3A_143 : vector<16xi32>
        %select_n3A_148 = arith.select %gt3A_146, %get3A_145, %broadcast_in_dim3A_5 : vector<16xi1>, vector<16xf32>
        %add3A_149 = arith.addf %add3A_132, %select_n3A_148 : vector<16xf32>
        %get3A_150 = arith.index_cast %add3A_141 : i32 to index
        %get3A_151 = tpu.vector_load %arg9[%get3A_150] {strides = array<i32>} : memref<25600xi32, #tpu.memory_space<vmem>>, vector<16xi32>,
        %select_n3A_152 = arith.select %gt3A_146, %broadcast_in_dim3A_7, %get3A_151 : vector<16xi1>, vector<16xi32>
        %swap3A_153 = arith.index_cast %add3A_141 : i32 to index
        %swap3A_154 = tpu.vector_load %arg9[%swap3A_153] {strides = array<i32>} : memref<25600xi32, #tpu.memory_space<vmem>>, vector<16xi32>,
        tpu.vector_store %arg9[%swap3A_153], %select_n3A_152 {strides = array<i32>} : memref<25600xi32, #tpu.memory_space<vmem>>, vector<16xi32>,
        %mul3A_155 = arith.constant 128 : i32
        %mul3A_156 = arith.muli %scan3A_87, %mul3A_155 : i32
        %add3A_157 = arith.constant 64 : i32
        %add3A_158 = arith.addi %mul3A_156, %add3A_157 : i32
        %get3A_159 = arith.index_cast %add3A_158 : i32 to index
        %get3A_160 = tpu.vector_load %arg7[%get3A_159] {strides = array<i32>} : memref<25600xi32, #tpu.memory_space<vmem>>, vector<16xi32>,
        %get3A_161 = arith.index_cast %add3A_158 : i32 to index
        %get3A_162 = tpu.vector_load %arg8[%get3A_161] {strides = array<i32>} : memref<25600xf32, #tpu.memory_space<vmem>>, vector<16xf32>,
        %gt3A_163 = arith.cmpi sgt, %get3A_160, %broadcast_in_dim3A_3 : vector<16xi32>
        %add3A_164 = arith.addi %add3A_147, %get3A_160 : vector<16xi32>
        %select_n3A_165 = arith.select %gt3A_163, %get3A_162, %broadcast_in_dim3A_5 : vector<16xi1>, vector<16xf32>
        %add3A_166 = arith.addf %add3A_149, %select_n3A_165 : vector<16xf32>
        %get3A_167 = arith.index_cast %add3A_158 : i32 to index
        %get3A_168 = tpu.vector_load %arg9[%get3A_167] {strides = array<i32>} : memref<25600xi32, #tpu.memory_space<vmem>>, vector<16xi32>,
        %select_n3A_169 = arith.select %gt3A_163, %broadcast_in_dim3A_7, %get3A_168 : vector<16xi1>, vector<16xi32>
        %swap3A_170 = arith.index_cast %add3A_158 : i32 to index
        %swap3A_171 = tpu.vector_load %arg9[%swap3A_170] {strides = array<i32>} : memref<25600xi32, #tpu.memory_space<vmem>>, vector<16xi32>,
        tpu.vector_store %arg9[%swap3A_170], %select_n3A_169 {strides = array<i32>} : memref<25600xi32, #tpu.memory_space<vmem>>, vector<16xi32>,
        %mul3A_172 = arith.constant 128 : i32
        %mul3A_173 = arith.muli %scan3A_87, %mul3A_172 : i32
        %add3A_174 = arith.constant 80 : i32
        %add3A_175 = arith.addi %mul3A_173, %add3A_174 : i32
        %get3A_176 = arith.index_cast %add3A_175 : i32 to index
        %get3A_177 = tpu.vector_load %arg7[%get3A_176] {strides = array<i32>} : memref<25600xi32, #tpu.memory_space<vmem>>, vector<16xi32>,
        %get3A_178 = arith.index_cast %add3A_175 : i32 to index
        %get3A_179 = tpu.vector_load %arg8[%get3A_178] {strides = array<i32>} : memref<25600xf32, #tpu.memory_space<vmem>>, vector<16xf32>,
        %gt3A_180 = arith.cmpi sgt, %get3A_177, %broadcast_in_dim3A_3 : vector<16xi32>
        %add3A_181 = arith.addi %add3A_164, %get3A_177 : vector<16xi32>
        %select_n3A_182 = arith.select %gt3A_180, %get3A_179, %broadcast_in_dim3A_5 : vector<16xi1>, vector<16xf32>
        %add3A_183 = arith.addf %add3A_166, %select_n3A_182 : vector<16xf32>
        %get3A_184 = arith.index_cast %add3A_175 : i32 to index
        %get3A_185 = tpu.vector_load %arg9[%get3A_184] {strides = array<i32>} : memref<25600xi32, #tpu.memory_space<vmem>>, vector<16xi32>,
        %select_n3A_186 = arith.select %gt3A_180, %broadcast_in_dim3A_7, %get3A_185 : vector<16xi1>, vector<16xi32>
        %swap3A_187 = arith.index_cast %add3A_175 : i32 to index
        %swap3A_188 = tpu.vector_load %arg9[%swap3A_187] {strides = array<i32>} : memref<25600xi32, #tpu.memory_space<vmem>>, vector<16xi32>,
        tpu.vector_store %arg9[%swap3A_187], %select_n3A_186 {strides = array<i32>} : memref<25600xi32, #tpu.memory_space<vmem>>, vector<16xi32>,
        %mul3A_189 = arith.constant 128 : i32
        %mul3A_190 = arith.muli %scan3A_87, %mul3A_189 : i32
        %add3A_191 = arith.constant 96 : i32
        %add3A_192 = arith.addi %mul3A_190, %add3A_191 : i32
        %get3A_193 = arith.index_cast %add3A_192 : i32 to index
        %get3A_194 = tpu.vector_load %arg7[%get3A_193] {strides = array<i32>} : memref<25600xi32, #tpu.memory_space<vmem>>, vector<16xi32>,
        %get3A_195 = arith.index_cast %add3A_192 : i32 to index
        %get3A_196 = tpu.vector_load %arg8[%get3A_195] {strides = array<i32>} : memref<25600xf32, #tpu.memory_space<vmem>>, vector<16xf32>,
        %gt3A_197 = arith.cmpi sgt, %get3A_194, %broadcast_in_dim3A_3 : vector<16xi32>
        %add3A_198 = arith.addi %add3A_181, %get3A_194 : vector<16xi32>
        %select_n3A_199 = arith.select %gt3A_197, %get3A_196, %broadcast_in_dim3A_5 : vector<16xi1>, vector<16xf32>
        %add3A_200 = arith.addf %add3A_183, %select_n3A_199 : vector<16xf32>
        %get3A_201 = arith.index_cast %add3A_192 : i32 to index
        %get3A_202 = tpu.vector_load %arg9[%get3A_201] {strides = array<i32>} : memref<25600xi32, #tpu.memory_space<vmem>>, vector<16xi32>,
        %select_n3A_203 = arith.select %gt3A_197, %broadcast_in_dim3A_7, %get3A_202 : vector<16xi1>, vector<16xi32>
        %swap3A_204 = arith.index_cast %add3A_192 : i32 to index
        %swap3A_205 = tpu.vector_load %arg9[%swap3A_204] {strides = array<i32>} : memref<25600xi32, #tpu.memory_space<vmem>>, vector<16xi32>,
        tpu.vector_store %arg9[%swap3A_204], %select_n3A_203 {strides = array<i32>} : memref<25600xi32, #tpu.memory_space<vmem>>, vector<16xi32>,
        %mul3A_206 = arith.constant 128 : i32
        %mul3A_207 = arith.muli %scan3A_87, %mul3A_206 : i32
        %add3A_208 = arith.constant 112 : i32
        %add3A_209 = arith.addi %mul3A_207, %add3A_208 : i32
        %get3A_210 = arith.index_cast %add3A_209 : i32 to index
        %get3A_211 = tpu.vector_load %arg7[%get3A_210] {strides = array<i32>} : memref<25600xi32, #tpu.memory_space<vmem>>, vector<16xi32>,
        %get3A_212 = arith.index_cast %add3A_209 : i32 to index
        %get3A_213 = tpu.vector_load %arg8[%get3A_212] {strides = array<i32>} : memref<25600xf32, #tpu.memory_space<vmem>>, vector<16xf32>,
        %gt3A_214 = arith.cmpi sgt, %get3A_211, %broadcast_in_dim3A_3 : vector<16xi32>
        %add3A_215 = arith.addi %add3A_198, %get3A_211 : vector<16xi32>
        %select_n3A_216 = arith.select %gt3A_214, %get3A_213, %broadcast_in_dim3A_5 : vector<16xi1>, vector<16xf32>
        %add3A_217 = arith.addf %add3A_200, %select_n3A_216 : vector<16xf32>
        %get3A_218 = arith.index_cast %add3A_209 : i32 to index
        %get3A_219 = tpu.vector_load %arg9[%get3A_218] {strides = array<i32>} : memref<25600xi32, #tpu.memory_space<vmem>>, vector<16xi32>,
        %select_n3A_220 = arith.select %gt3A_214, %broadcast_in_dim3A_7, %get3A_219 : vector<16xi1>, vector<16xi32>
        %swap3A_221 = arith.index_cast %add3A_209 : i32 to index
        %swap3A_222 = tpu.vector_load %arg9[%swap3A_221] {strides = array<i32>} : memref<25600xi32, #tpu.memory_space<vmem>>, vector<16xi32>,
        tpu.vector_store %arg9[%swap3A_221], %select_n3A_220 {strides = array<i32>} : memref<25600xi32, #tpu.memory_space<vmem>>, vector<16xi32>,
        scf.yield %add3A_215, %add3A_217 : vector<16xi32>, vector<16xf32>
      }
      %scan3A_12 = arith.constant 200 : i32
      %reduce_sum3A = arith.constant true
      %reduce_sum3A_13 = vector.broadcast %reduce_sum3A : i1 to vector<16xi1>
      %reduce_sum3A_14 = tpu.scan <sum>, %scan3A_11#0 masked %reduce_sum3A_13 : vector<16xi32>, vector<16xi1> -> vector<16xi32>
      %reduce_sum3A_15 = vector.extract %reduce_sum3A_14[15] : i32 from vector<16xi32>
      %convert_element_type3A_16 = arith.sitofp %reduce_sum3A_15 : i32 to f32
      %reduce_sum3A_17 = arith.constant true
      %reduce_sum3A_18 = vector.broadcast %reduce_sum3A_17 : i1 to vector<16xi1>
      %reduce_sum3A_19 = tpu.scan <sum>, %scan3A_11#1 masked %reduce_sum3A_18 : vector<16xf32>, vector<16xi1> -> vector<16xf32>
      %reduce_sum3A_20 = vector.extract %reduce_sum3A_19[15] : f32 from vector<16xf32>
      %scan3A_21 = arith.constant 0 : i32
      %scan3A_22 = arith.constant 1065353215 : i32
      %scan3A_23 = arith.constant 0 : i32
      %scan3A_24 = arith.constant 30 : i32
      %scan3A_25 = arith.addi %scan3A_23, %scan3A_24 : i32
      %scan3A_26 = arith.constant 1 : i32
      %scan3A_27:2 = scf.for %scan3A_87 = %scan3A_23 to %scan3A_25 step %scan3A_26 iter_args(%scan3A_88 = %scan3A_21, %scan3A_89 = %scan3A_22) -> (i32, i32)  : i32 {
        %add3A_90 = arith.addi %scan3A_88, %scan3A_89 : i32
        %add3A_91 = arith.constant 1 : i32
        %add3A_92 = arith.addi %add3A_90, %add3A_91 : i32
        %shift_right_logical3A = arith.constant 1 : i32
        %shift_right_logical3A_93 = arith.shrui %add3A_92, %shift_right_logical3A : i32
        %broadcast_in_dim3A_94 = vector.broadcast %shift_right_logical3A_93 : i32 to vector<16xi32>
        %broadcast_in_dim3A_95 = arith.constant 0 : i32
        %broadcast_in_dim3A_96 = vector.broadcast %broadcast_in_dim3A_95 : i32 to vector<16xi32>
        %broadcast_in_dim3A_97 = arith.constant 1 : i32
        %broadcast_in_dim3A_98 = vector.broadcast %broadcast_in_dim3A_97 : i32 to vector<16xi32>
        %scan3A_99 = arith.constant 0 : i32
        %scan3A_100 = arith.constant 100 : i32
        %scan3A_101 = arith.addi %scan3A_99, %scan3A_100 : i32
        %scan3A_102 = arith.constant 1 : i32
        %scan3A_103:4 = scf.for %scan3A_116 = %scan3A_99 to %scan3A_101 step %scan3A_102 iter_args(%scan3A_117 = %broadcast_in_dim3A_96, %scan3A_118 = %broadcast_in_dim3A_96, %scan3A_119 = %broadcast_in_dim3A_96, %scan3A_120 = %broadcast_in_dim3A_96) -> (vector<16xi32>, vector<16xi32>, vector<16xi32>, vector<16xi32>)  : i32 {
          %mul3A_121 = arith.constant 256 : i32
          %mul3A_122 = arith.muli %scan3A_116, %mul3A_121 : i32
          %add3A_123 = arith.constant 0 : i32
          %add3A_124 = arith.addi %mul3A_122, %add3A_123 : i32
          %get3A = arith.index_cast %add3A_124 : i32 to index
          %get3A_125 = tpu.vector_load %arg9[%get3A] {strides = array<i32>} : memref<25600xi32, #tpu.memory_space<vmem>>, vector<16xi32>,
          %ge3A_126 = arith.cmpi sge, %get3A_125, %broadcast_in_dim3A_94 : vector<16xi32>
          %select_n3A_127 = arith.select %ge3A_126, %broadcast_in_dim3A_98, %broadcast_in_dim3A_96 : vector<16xi1>, vector<16xi32>
          %add3A_128 = arith.addi %scan3A_117, %select_n3A_127 : vector<16xi32>
          %add3A_129 = arith.constant 16 : i32
          %add3A_130 = arith.addi %mul3A_122, %add3A_129 : i32
          %get3A_131 = arith.index_cast %add3A_130 : i32 to index
          %get3A_132 = tpu.vector_load %arg9[%get3A_131] {strides = array<i32>} : memref<25600xi32, #tpu.memory_space<vmem>>, vector<16xi32>,
          %ge3A_133 = arith.cmpi sge, %get3A_132, %broadcast_in_dim3A_94 : vector<16xi32>
          %select_n3A_134 = arith.select %ge3A_133, %broadcast_in_dim3A_98, %broadcast_in_dim3A_96 : vector<16xi1>, vector<16xi32>
          %add3A_135 = arith.addi %scan3A_118, %select_n3A_134 : vector<16xi32>
          %add3A_136 = arith.constant 32 : i32
          %add3A_137 = arith.addi %mul3A_122, %add3A_136 : i32
          %get3A_138 = arith.index_cast %add3A_137 : i32 to index
          %get3A_139 = tpu.vector_load %arg9[%get3A_138] {strides = array<i32>} : memref<25600xi32, #tpu.memory_space<vmem>>, vector<16xi32>,
          %ge3A_140 = arith.cmpi sge, %get3A_139, %broadcast_in_dim3A_94 : vector<16xi32>
          %select_n3A_141 = arith.select %ge3A_140, %broadcast_in_dim3A_98, %broadcast_in_dim3A_96 : vector<16xi1>, vector<16xi32>
          %add3A_142 = arith.addi %scan3A_119, %select_n3A_141 : vector<16xi32>
          %add3A_143 = arith.constant 48 : i32
          %add3A_144 = arith.addi %mul3A_122, %add3A_143 : i32
          %get3A_145 = arith.index_cast %add3A_144 : i32 to index
          %get3A_146 = tpu.vector_load %arg9[%get3A_145] {strides = array<i32>} : memref<25600xi32, #tpu.memory_space<vmem>>, vector<16xi32>,
          %ge3A_147 = arith.cmpi sge, %get3A_146, %broadcast_in_dim3A_94 : vector<16xi32>
          %select_n3A_148 = arith.select %ge3A_147, %broadcast_in_dim3A_98, %broadcast_in_dim3A_96 : vector<16xi1>, vector<16xi32>
          %add3A_149 = arith.addi %scan3A_120, %select_n3A_148 : vector<16xi32>
          %add3A_150 = arith.constant 64 : i32
          %add3A_151 = arith.addi %mul3A_122, %add3A_150 : i32
          %get3A_152 = arith.index_cast %add3A_151 : i32 to index
          %get3A_153 = tpu.vector_load %arg9[%get3A_152] {strides = array<i32>} : memref<25600xi32, #tpu.memory_space<vmem>>, vector<16xi32>,
          %ge3A_154 = arith.cmpi sge, %get3A_153, %broadcast_in_dim3A_94 : vector<16xi32>
          %select_n3A_155 = arith.select %ge3A_154, %broadcast_in_dim3A_98, %broadcast_in_dim3A_96 : vector<16xi1>, vector<16xi32>
          %add3A_156 = arith.addi %add3A_128, %select_n3A_155 : vector<16xi32>
          %add3A_157 = arith.constant 80 : i32
          %add3A_158 = arith.addi %mul3A_122, %add3A_157 : i32
          %get3A_159 = arith.index_cast %add3A_158 : i32 to index
          %get3A_160 = tpu.vector_load %arg9[%get3A_159] {strides = array<i32>} : memref<25600xi32, #tpu.memory_space<vmem>>, vector<16xi32>,
          %ge3A_161 = arith.cmpi sge, %get3A_160, %broadcast_in_dim3A_94 : vector<16xi32>
          %select_n3A_162 = arith.select %ge3A_161, %broadcast_in_dim3A_98, %broadcast_in_dim3A_96 : vector<16xi1>, vector<16xi32>
          %add3A_163 = arith.addi %add3A_135, %select_n3A_162 : vector<16xi32>
          %add3A_164 = arith.constant 96 : i32
          %add3A_165 = arith.addi %mul3A_122, %add3A_164 : i32
          %get3A_166 = arith.index_cast %add3A_165 : i32 to index
          %get3A_167 = tpu.vector_load %arg9[%get3A_166] {strides = array<i32>} : memref<25600xi32, #tpu.memory_space<vmem>>, vector<16xi32>,
          %ge3A_168 = arith.cmpi sge, %get3A_167, %broadcast_in_dim3A_94 : vector<16xi32>
          %select_n3A_169 = arith.select %ge3A_168, %broadcast_in_dim3A_98, %broadcast_in_dim3A_96 : vector<16xi1>, vector<16xi32>
          %add3A_170 = arith.addi %add3A_142, %select_n3A_169 : vector<16xi32>
          %add3A_171 = arith.constant 112 : i32
          %add3A_172 = arith.addi %mul3A_122, %add3A_171 : i32
          %get3A_173 = arith.index_cast %add3A_172 : i32 to index
          %get3A_174 = tpu.vector_load %arg9[%get3A_173] {strides = array<i32>} : memref<25600xi32, #tpu.memory_space<vmem>>, vector<16xi32>,
          %ge3A_175 = arith.cmpi sge, %get3A_174, %broadcast_in_dim3A_94 : vector<16xi32>
          %select_n3A_176 = arith.select %ge3A_175, %broadcast_in_dim3A_98, %broadcast_in_dim3A_96 : vector<16xi1>, vector<16xi32>
          %add3A_177 = arith.addi %add3A_149, %select_n3A_176 : vector<16xi32>
          %add3A_178 = arith.constant 128 : i32
          %add3A_179 = arith.addi %mul3A_122, %add3A_178 : i32
          %get3A_180 = arith.index_cast %add3A_179 : i32 to index
          %get3A_181 = tpu.vector_load %arg9[%get3A_180] {strides = array<i32>} : memref<25600xi32, #tpu.memory_space<vmem>>, vector<16xi32>,
          %ge3A_182 = arith.cmpi sge, %get3A_181, %broadcast_in_dim3A_94 : vector<16xi32>
          %select_n3A_183 = arith.select %ge3A_182, %broadcast_in_dim3A_98, %broadcast_in_dim3A_96 : vector<16xi1>, vector<16xi32>
          %add3A_184 = arith.addi %add3A_156, %select_n3A_183 : vector<16xi32>
          %add3A_185 = arith.constant 144 : i32
          %add3A_186 = arith.addi %mul3A_122, %add3A_185 : i32
          %get3A_187 = arith.index_cast %add3A_186 : i32 to index
          %get3A_188 = tpu.vector_load %arg9[%get3A_187] {strides = array<i32>} : memref<25600xi32, #tpu.memory_space<vmem>>, vector<16xi32>,
          %ge3A_189 = arith.cmpi sge, %get3A_188, %broadcast_in_dim3A_94 : vector<16xi32>
          %select_n3A_190 = arith.select %ge3A_189, %broadcast_in_dim3A_98, %broadcast_in_dim3A_96 : vector<16xi1>, vector<16xi32>
          %add3A_191 = arith.addi %add3A_163, %select_n3A_190 : vector<16xi32>
          %add3A_192 = arith.constant 160 : i32
          %add3A_193 = arith.addi %mul3A_122, %add3A_192 : i32
          %get3A_194 = arith.index_cast %add3A_193 : i32 to index
          %get3A_195 = tpu.vector_load %arg9[%get3A_194] {strides = array<i32>} : memref<25600xi32, #tpu.memory_space<vmem>>, vector<16xi32>,
          %ge3A_196 = arith.cmpi sge, %get3A_195, %broadcast_in_dim3A_94 : vector<16xi32>
          %select_n3A_197 = arith.select %ge3A_196, %broadcast_in_dim3A_98, %broadcast_in_dim3A_96 : vector<16xi1>, vector<16xi32>
          %add3A_198 = arith.addi %add3A_170, %select_n3A_197 : vector<16xi32>
          %add3A_199 = arith.constant 176 : i32
          %add3A_200 = arith.addi %mul3A_122, %add3A_199 : i32
          %get3A_201 = arith.index_cast %add3A_200 : i32 to index
          %get3A_202 = tpu.vector_load %arg9[%get3A_201] {strides = array<i32>} : memref<25600xi32, #tpu.memory_space<vmem>>, vector<16xi32>,
          %ge3A_203 = arith.cmpi sge, %get3A_202, %broadcast_in_dim3A_94 : vector<16xi32>
          %select_n3A_204 = arith.select %ge3A_203, %broadcast_in_dim3A_98, %broadcast_in_dim3A_96 : vector<16xi1>, vector<16xi32>
          %add3A_205 = arith.addi %add3A_177, %select_n3A_204 : vector<16xi32>
          %add3A_206 = arith.constant 192 : i32
          %add3A_207 = arith.addi %mul3A_122, %add3A_206 : i32
          %get3A_208 = arith.index_cast %add3A_207 : i32 to index
          %get3A_209 = tpu.vector_load %arg9[%get3A_208] {strides = array<i32>} : memref<25600xi32, #tpu.memory_space<vmem>>, vector<16xi32>,
          %ge3A_210 = arith.cmpi sge, %get3A_209, %broadcast_in_dim3A_94 : vector<16xi32>
          %select_n3A_211 = arith.select %ge3A_210, %broadcast_in_dim3A_98, %broadcast_in_dim3A_96 : vector<16xi1>, vector<16xi32>
          %add3A_212 = arith.addi %add3A_184, %select_n3A_211 : vector<16xi32>
          %add3A_213 = arith.constant 208 : i32
          %add3A_214 = arith.addi %mul3A_122, %add3A_213 : i32
          %get3A_215 = arith.index_cast %add3A_214 : i32 to index
          %get3A_216 = tpu.vector_load %arg9[%get3A_215] {strides = array<i32>} : memref<25600xi32, #tpu.memory_space<vmem>>, vector<16xi32>,
          %ge3A_217 = arith.cmpi sge, %get3A_216, %broadcast_in_dim3A_94 : vector<16xi32>
          %select_n3A_218 = arith.select %ge3A_217, %broadcast_in_dim3A_98, %broadcast_in_dim3A_96 : vector<16xi1>, vector<16xi32>
          %add3A_219 = arith.addi %add3A_191, %select_n3A_218 : vector<16xi32>
          %add3A_220 = arith.constant 224 : i32
          %add3A_221 = arith.addi %mul3A_122, %add3A_220 : i32
          %get3A_222 = arith.index_cast %add3A_221 : i32 to index
          %get3A_223 = tpu.vector_load %arg9[%get3A_222] {strides = array<i32>} : memref<25600xi32, #tpu.memory_space<vmem>>, vector<16xi32>,
          %ge3A_224 = arith.cmpi sge, %get3A_223, %broadcast_in_dim3A_94 : vector<16xi32>
          %select_n3A_225 = arith.select %ge3A_224, %broadcast_in_dim3A_98, %broadcast_in_dim3A_96 : vector<16xi1>, vector<16xi32>
          %add3A_226 = arith.addi %add3A_198, %select_n3A_225 : vector<16xi32>
          %add3A_227 = arith.constant 240 : i32
          %add3A_228 = arith.addi %mul3A_122, %add3A_227 : i32
          %get3A_229 = arith.index_cast %add3A_228 : i32 to index
          %get3A_230 = tpu.vector_load %arg9[%get3A_229] {strides = array<i32>} : memref<25600xi32, #tpu.memory_space<vmem>>, vector<16xi32>,
          %ge3A_231 = arith.cmpi sge, %get3A_230, %broadcast_in_dim3A_94 : vector<16xi32>
          %select_n3A_232 = arith.select %ge3A_231, %broadcast_in_dim3A_98, %broadcast_in_dim3A_96 : vector<16xi1>, vector<16xi32>
          %add3A_233 = arith.addi %add3A_205, %select_n3A_232 : vector<16xi32>
          scf.yield %add3A_212, %add3A_219, %add3A_226, %add3A_233 : vector<16xi32>, vector<16xi32>, vector<16xi32>, vector<16xi32>
        }
        %scan3A_104 = arith.constant 100 : i32
        %add3A_105 = arith.addi %scan3A_103#0, %scan3A_103#1 : vector<16xi32>
        %add3A_106 = arith.addi %add3A_105, %scan3A_103#2 : vector<16xi32>
        %add3A_107 = arith.addi %add3A_106, %scan3A_103#3 : vector<16xi32>
        %reduce_sum3A_108 = arith.constant true
        %reduce_sum3A_109 = vector.broadcast %reduce_sum3A_108 : i1 to vector<16xi1>
        %reduce_sum3A_110 = tpu.scan <sum>, %add3A_107 masked %reduce_sum3A_109 : vector<16xi32>, vector<16xi1> -> vector<16xi32>
        %reduce_sum3A_111 = vector.extract %reduce_sum3A_110[15] : i32 from vector<16xi32>
        %ge3A = arith.constant 512 : i32
        %ge3A_112 = arith.cmpi sge, %reduce_sum3A_111, %ge3A : i32
        %select_n3A = arith.select %ge3A_112, %shift_right_logical3A_93, %scan3A_88 : i32
        %sub3A_113 = arith.constant 1 : i32
        %sub3A_114 = arith.subi %shift_right_logical3A_93, %sub3A_113 : i32
        %select_n3A_115 = arith.select %ge3A_112, %scan3A_89, %sub3A_114 : i32
        scf.yield %select_n3A, %select_n3A_115 : i32, i32
      }
      %scan3A_28 = arith.constant 30 : i32
      %broadcast_in_dim3A_29 = vector.broadcast %scan3A_27#0 : i32 to vector<16xi32>
      %scan3A_30 = arith.constant 0 : i32
      %scan3A_31 = arith.constant 200 : i32
      %scan3A_32 = arith.addi %scan3A_30, %scan3A_31 : i32
      %scan3A_33 = arith.constant 1 : i32
      %scan3A_34 = scf.for %scan3A_87 = %scan3A_30 to %scan3A_32 step %scan3A_33 iter_args(%scan3A_88 = %broadcast_in_dim3A_5) -> (vector<16xf32>)  : i32 {
        %mul3A_89 = arith.constant 128 : i32
        %mul3A_90 = arith.muli %scan3A_87, %mul3A_89 : i32
        %add3A_91 = arith.constant 0 : i32
        %add3A_92 = arith.addi %mul3A_90, %add3A_91 : i32
        %get3A = arith.index_cast %add3A_92 : i32 to index
        %get3A_93 = tpu.vector_load %arg9[%get3A] {strides = array<i32>} : memref<25600xi32, #tpu.memory_space<vmem>>, vector<16xi32>,
        %get3A_94 = arith.index_cast %add3A_92 : i32 to index
        %get3A_95 = tpu.vector_load %arg8[%get3A_94] {strides = array<i32>} : memref<25600xf32, #tpu.memory_space<vmem>>, vector<16xf32>,
        %get3A_96 = arith.index_cast %add3A_92 : i32 to index
        %get3A_97 = tpu.vector_load %arg10[%get3A_96] {strides = array<i32>} : memref<25600xi32, #tpu.memory_space<vmem>>, vector<16xi32>,
        %ge3A = arith.cmpi sge, %get3A_93, %broadcast_in_dim3A_29 : vector<16xi32>
        %select_n3A = arith.select %ge3A, %get3A_95, %broadcast_in_dim3A_5 : vector<16xi1>, vector<16xf32>
        %add3A_98 = arith.addf %scan3A_88, %select_n3A : vector<16xf32>
        %ge3A_99 = arith.cmpi sge, %get3A_93, %broadcast_in_dim3A_3 : vector<16xi32>
        %lt3A_100 = arith.cmpi slt, %get3A_93, %broadcast_in_dim3A_29 : vector<16xi32>
        %and3A = arith.andi %ge3A_99, %lt3A_100 : vector<16xi1>
        %select_n3A_101 = arith.select %and3A, %get3A_97, %broadcast_in_dim3A_7 : vector<16xi1>, vector<16xi32>
        %swap3A_102 = arith.index_cast %add3A_92 : i32 to index
        %swap3A_103 = tpu.vector_load %arg10[%swap3A_102] {strides = array<i32>} : memref<25600xi32, #tpu.memory_space<vmem>>, vector<16xi32>,
        tpu.vector_store %arg10[%swap3A_102], %select_n3A_101 {strides = array<i32>} : memref<25600xi32, #tpu.memory_space<vmem>>, vector<16xi32>,
        %mul3A_104 = arith.constant 128 : i32
        %mul3A_105 = arith.muli %scan3A_87, %mul3A_104 : i32
        %add3A_106 = arith.constant 16 : i32
        %add3A_107 = arith.addi %mul3A_105, %add3A_106 : i32
        %get3A_108 = arith.index_cast %add3A_107 : i32 to index
        %get3A_109 = tpu.vector_load %arg9[%get3A_108] {strides = array<i32>} : memref<25600xi32, #tpu.memory_space<vmem>>, vector<16xi32>,
        %get3A_110 = arith.index_cast %add3A_107 : i32 to index
        %get3A_111 = tpu.vector_load %arg8[%get3A_110] {strides = array<i32>} : memref<25600xf32, #tpu.memory_space<vmem>>, vector<16xf32>,
        %get3A_112 = arith.index_cast %add3A_107 : i32 to index
        %get3A_113 = tpu.vector_load %arg10[%get3A_112] {strides = array<i32>} : memref<25600xi32, #tpu.memory_space<vmem>>, vector<16xi32>,
        %ge3A_114 = arith.cmpi sge, %get3A_109, %broadcast_in_dim3A_29 : vector<16xi32>
        %select_n3A_115 = arith.select %ge3A_114, %get3A_111, %broadcast_in_dim3A_5 : vector<16xi1>, vector<16xf32>
        %add3A_116 = arith.addf %add3A_98, %select_n3A_115 : vector<16xf32>
        %ge3A_117 = arith.cmpi sge, %get3A_109, %broadcast_in_dim3A_3 : vector<16xi32>
        %lt3A_118 = arith.cmpi slt, %get3A_109, %broadcast_in_dim3A_29 : vector<16xi32>
        %and3A_119 = arith.andi %ge3A_117, %lt3A_118 : vector<16xi1>
        %select_n3A_120 = arith.select %and3A_119, %get3A_113, %broadcast_in_dim3A_7 : vector<16xi1>, vector<16xi32>
        %swap3A_121 = arith.index_cast %add3A_107 : i32 to index
        %swap3A_122 = tpu.vector_load %arg10[%swap3A_121] {strides = array<i32>} : memref<25600xi32, #tpu.memory_space<vmem>>, vector<16xi32>,
        tpu.vector_store %arg10[%swap3A_121], %select_n3A_120 {strides = array<i32>} : memref<25600xi32, #tpu.memory_space<vmem>>, vector<16xi32>,
        %mul3A_123 = arith.constant 128 : i32
        %mul3A_124 = arith.muli %scan3A_87, %mul3A_123 : i32
        %add3A_125 = arith.constant 32 : i32
        %add3A_126 = arith.addi %mul3A_124, %add3A_125 : i32
        %get3A_127 = arith.index_cast %add3A_126 : i32 to index
        %get3A_128 = tpu.vector_load %arg9[%get3A_127] {strides = array<i32>} : memref<25600xi32, #tpu.memory_space<vmem>>, vector<16xi32>,
        %get3A_129 = arith.index_cast %add3A_126 : i32 to index
        %get3A_130 = tpu.vector_load %arg8[%get3A_129] {strides = array<i32>} : memref<25600xf32, #tpu.memory_space<vmem>>, vector<16xf32>,
        %get3A_131 = arith.index_cast %add3A_126 : i32 to index
        %get3A_132 = tpu.vector_load %arg10[%get3A_131] {strides = array<i32>} : memref<25600xi32, #tpu.memory_space<vmem>>, vector<16xi32>,
        %ge3A_133 = arith.cmpi sge, %get3A_128, %broadcast_in_dim3A_29 : vector<16xi32>
        %select_n3A_134 = arith.select %ge3A_133, %get3A_130, %broadcast_in_dim3A_5 : vector<16xi1>, vector<16xf32>
        %add3A_135 = arith.addf %add3A_116, %select_n3A_134 : vector<16xf32>
        %ge3A_136 = arith.cmpi sge, %get3A_128, %broadcast_in_dim3A_3 : vector<16xi32>
        %lt3A_137 = arith.cmpi slt, %get3A_128, %broadcast_in_dim3A_29 : vector<16xi32>
        %and3A_138 = arith.andi %ge3A_136, %lt3A_137 : vector<16xi1>
        %select_n3A_139 = arith.select %and3A_138, %get3A_132, %broadcast_in_dim3A_7 : vector<16xi1>, vector<16xi32>
        %swap3A_140 = arith.index_cast %add3A_126 : i32 to index
        %swap3A_141 = tpu.vector_load %arg10[%swap3A_140] {strides = array<i32>} : memref<25600xi32, #tpu.memory_space<vmem>>, vector<16xi32>,
        tpu.vector_store %arg10[%swap3A_140], %select_n3A_139 {strides = array<i32>} : memref<25600xi32, #tpu.memory_space<vmem>>, vector<16xi32>,
        %mul3A_142 = arith.constant 128 : i32
        %mul3A_143 = arith.muli %scan3A_87, %mul3A_142 : i32
        %add3A_144 = arith.constant 48 : i32
        %add3A_145 = arith.addi %mul3A_143, %add3A_144 : i32
        %get3A_146 = arith.index_cast %add3A_145 : i32 to index
        %get3A_147 = tpu.vector_load %arg9[%get3A_146] {strides = array<i32>} : memref<25600xi32, #tpu.memory_space<vmem>>, vector<16xi32>,
        %get3A_148 = arith.index_cast %add3A_145 : i32 to index
        %get3A_149 = tpu.vector_load %arg8[%get3A_148] {strides = array<i32>} : memref<25600xf32, #tpu.memory_space<vmem>>, vector<16xf32>,
        %get3A_150 = arith.index_cast %add3A_145 : i32 to index
        %get3A_151 = tpu.vector_load %arg10[%get3A_150] {strides = array<i32>} : memref<25600xi32, #tpu.memory_space<vmem>>, vector<16xi32>,
        %ge3A_152 = arith.cmpi sge, %get3A_147, %broadcast_in_dim3A_29 : vector<16xi32>
        %select_n3A_153 = arith.select %ge3A_152, %get3A_149, %broadcast_in_dim3A_5 : vector<16xi1>, vector<16xf32>
        %add3A_154 = arith.addf %add3A_135, %select_n3A_153 : vector<16xf32>
        %ge3A_155 = arith.cmpi sge, %get3A_147, %broadcast_in_dim3A_3 : vector<16xi32>
        %lt3A_156 = arith.cmpi slt, %get3A_147, %broadcast_in_dim3A_29 : vector<16xi32>
        %and3A_157 = arith.andi %ge3A_155, %lt3A_156 : vector<16xi1>
        %select_n3A_158 = arith.select %and3A_157, %get3A_151, %broadcast_in_dim3A_7 : vector<16xi1>, vector<16xi32>
        %swap3A_159 = arith.index_cast %add3A_145 : i32 to index
        %swap3A_160 = tpu.vector_load %arg10[%swap3A_159] {strides = array<i32>} : memref<25600xi32, #tpu.memory_space<vmem>>, vector<16xi32>,
        tpu.vector_store %arg10[%swap3A_159], %select_n3A_158 {strides = array<i32>} : memref<25600xi32, #tpu.memory_space<vmem>>, vector<16xi32>,
        %mul3A_161 = arith.constant 128 : i32
        %mul3A_162 = arith.muli %scan3A_87, %mul3A_161 : i32
        %add3A_163 = arith.constant 64 : i32
        %add3A_164 = arith.addi %mul3A_162, %add3A_163 : i32
        %get3A_165 = arith.index_cast %add3A_164 : i32 to index
        %get3A_166 = tpu.vector_load %arg9[%get3A_165] {strides = array<i32>} : memref<25600xi32, #tpu.memory_space<vmem>>, vector<16xi32>,
        %get3A_167 = arith.index_cast %add3A_164 : i32 to index
        %get3A_168 = tpu.vector_load %arg8[%get3A_167] {strides = array<i32>} : memref<25600xf32, #tpu.memory_space<vmem>>, vector<16xf32>,
        %get3A_169 = arith.index_cast %add3A_164 : i32 to index
        %get3A_170 = tpu.vector_load %arg10[%get3A_169] {strides = array<i32>} : memref<25600xi32, #tpu.memory_space<vmem>>, vector<16xi32>,
        %ge3A_171 = arith.cmpi sge, %get3A_166, %broadcast_in_dim3A_29 : vector<16xi32>
        %select_n3A_172 = arith.select %ge3A_171, %get3A_168, %broadcast_in_dim3A_5 : vector<16xi1>, vector<16xf32>
        %add3A_173 = arith.addf %add3A_154, %select_n3A_172 : vector<16xf32>
        %ge3A_174 = arith.cmpi sge, %get3A_166, %broadcast_in_dim3A_3 : vector<16xi32>
        %lt3A_175 = arith.cmpi slt, %get3A_166, %broadcast_in_dim3A_29 : vector<16xi32>
        %and3A_176 = arith.andi %ge3A_174, %lt3A_175 : vector<16xi1>
        %select_n3A_177 = arith.select %and3A_176, %get3A_170, %broadcast_in_dim3A_7 : vector<16xi1>, vector<16xi32>
        %swap3A_178 = arith.index_cast %add3A_164 : i32 to index
        %swap3A_179 = tpu.vector_load %arg10[%swap3A_178] {strides = array<i32>} : memref<25600xi32, #tpu.memory_space<vmem>>, vector<16xi32>,
        tpu.vector_store %arg10[%swap3A_178], %select_n3A_177 {strides = array<i32>} : memref<25600xi32, #tpu.memory_space<vmem>>, vector<16xi32>,
        %mul3A_180 = arith.constant 128 : i32
        %mul3A_181 = arith.muli %scan3A_87, %mul3A_180 : i32
        %add3A_182 = arith.constant 80 : i32
        %add3A_183 = arith.addi %mul3A_181, %add3A_182 : i32
        %get3A_184 = arith.index_cast %add3A_183 : i32 to index
        %get3A_185 = tpu.vector_load %arg9[%get3A_184] {strides = array<i32>} : memref<25600xi32, #tpu.memory_space<vmem>>, vector<16xi32>,
        %get3A_186 = arith.index_cast %add3A_183 : i32 to index
        %get3A_187 = tpu.vector_load %arg8[%get3A_186] {strides = array<i32>} : memref<25600xf32, #tpu.memory_space<vmem>>, vector<16xf32>,
        %get3A_188 = arith.index_cast %add3A_183 : i32 to index
        %get3A_189 = tpu.vector_load %arg10[%get3A_188] {strides = array<i32>} : memref<25600xi32, #tpu.memory_space<vmem>>, vector<16xi32>,
        %ge3A_190 = arith.cmpi sge, %get3A_185, %broadcast_in_dim3A_29 : vector<16xi32>
        %select_n3A_191 = arith.select %ge3A_190, %get3A_187, %broadcast_in_dim3A_5 : vector<16xi1>, vector<16xf32>
        %add3A_192 = arith.addf %add3A_173, %select_n3A_191 : vector<16xf32>
        %ge3A_193 = arith.cmpi sge, %get3A_185, %broadcast_in_dim3A_3 : vector<16xi32>
        %lt3A_194 = arith.cmpi slt, %get3A_185, %broadcast_in_dim3A_29 : vector<16xi32>
        %and3A_195 = arith.andi %ge3A_193, %lt3A_194 : vector<16xi1>
        %select_n3A_196 = arith.select %and3A_195, %get3A_189, %broadcast_in_dim3A_7 : vector<16xi1>, vector<16xi32>
        %swap3A_197 = arith.index_cast %add3A_183 : i32 to index
        %swap3A_198 = tpu.vector_load %arg10[%swap3A_197] {strides = array<i32>} : memref<25600xi32, #tpu.memory_space<vmem>>, vector<16xi32>,
        tpu.vector_store %arg10[%swap3A_197], %select_n3A_196 {strides = array<i32>} : memref<25600xi32, #tpu.memory_space<vmem>>, vector<16xi32>,
        %mul3A_199 = arith.constant 128 : i32
        %mul3A_200 = arith.muli %scan3A_87, %mul3A_199 : i32
        %add3A_201 = arith.constant 96 : i32
        %add3A_202 = arith.addi %mul3A_200, %add3A_201 : i32
        %get3A_203 = arith.index_cast %add3A_202 : i32 to index
        %get3A_204 = tpu.vector_load %arg9[%get3A_203] {strides = array<i32>} : memref<25600xi32, #tpu.memory_space<vmem>>, vector<16xi32>,
        %get3A_205 = arith.index_cast %add3A_202 : i32 to index
        %get3A_206 = tpu.vector_load %arg8[%get3A_205] {strides = array<i32>} : memref<25600xf32, #tpu.memory_space<vmem>>, vector<16xf32>,
        %get3A_207 = arith.index_cast %add3A_202 : i32 to index
        %get3A_208 = tpu.vector_load %arg10[%get3A_207] {strides = array<i32>} : memref<25600xi32, #tpu.memory_space<vmem>>, vector<16xi32>,
        %ge3A_209 = arith.cmpi sge, %get3A_204, %broadcast_in_dim3A_29 : vector<16xi32>
        %select_n3A_210 = arith.select %ge3A_209, %get3A_206, %broadcast_in_dim3A_5 : vector<16xi1>, vector<16xf32>
        %add3A_211 = arith.addf %add3A_192, %select_n3A_210 : vector<16xf32>
        %ge3A_212 = arith.cmpi sge, %get3A_204, %broadcast_in_dim3A_3 : vector<16xi32>
        %lt3A_213 = arith.cmpi slt, %get3A_204, %broadcast_in_dim3A_29 : vector<16xi32>
        %and3A_214 = arith.andi %ge3A_212, %lt3A_213 : vector<16xi1>
        %select_n3A_215 = arith.select %and3A_214, %get3A_208, %broadcast_in_dim3A_7 : vector<16xi1>, vector<16xi32>
        %swap3A_216 = arith.index_cast %add3A_202 : i32 to index
        %swap3A_217 = tpu.vector_load %arg10[%swap3A_216] {strides = array<i32>} : memref<25600xi32, #tpu.memory_space<vmem>>, vector<16xi32>,
        tpu.vector_store %arg10[%swap3A_216], %select_n3A_215 {strides = array<i32>} : memref<25600xi32, #tpu.memory_space<vmem>>, vector<16xi32>,
        %mul3A_218 = arith.constant 128 : i32
        %mul3A_219 = arith.muli %scan3A_87, %mul3A_218 : i32
        %add3A_220 = arith.constant 112 : i32
        %add3A_221 = arith.addi %mul3A_219, %add3A_220 : i32
        %get3A_222 = arith.index_cast %add3A_221 : i32 to index
        %get3A_223 = tpu.vector_load %arg9[%get3A_222] {strides = array<i32>} : memref<25600xi32, #tpu.memory_space<vmem>>, vector<16xi32>,
        %get3A_224 = arith.index_cast %add3A_221 : i32 to index
        %get3A_225 = tpu.vector_load %arg8[%get3A_224] {strides = array<i32>} : memref<25600xf32, #tpu.memory_space<vmem>>, vector<16xf32>,
        %get3A_226 = arith.index_cast %add3A_221 : i32 to index
        %get3A_227 = tpu.vector_load %arg10[%get3A_226] {strides = array<i32>} : memref<25600xi32, #tpu.memory_space<vmem>>, vector<16xi32>,
        %ge3A_228 = arith.cmpi sge, %get3A_223, %broadcast_in_dim3A_29 : vector<16xi32>
        %select_n3A_229 = arith.select %ge3A_228, %get3A_225, %broadcast_in_dim3A_5 : vector<16xi1>, vector<16xf32>
        %add3A_230 = arith.addf %add3A_211, %select_n3A_229 : vector<16xf32>
        %ge3A_231 = arith.cmpi sge, %get3A_223, %broadcast_in_dim3A_3 : vector<16xi32>
        %lt3A_232 = arith.cmpi slt, %get3A_223, %broadcast_in_dim3A_29 : vector<16xi32>
        %and3A_233 = arith.andi %ge3A_231, %lt3A_232 : vector<16xi1>
        %select_n3A_234 = arith.select %and3A_233, %get3A_227, %broadcast_in_dim3A_7 : vector<16xi1>, vector<16xi32>
        %swap3A_235 = arith.index_cast %add3A_221 : i32 to index
        %swap3A_236 = tpu.vector_load %arg10[%swap3A_235] {strides = array<i32>} : memref<25600xi32, #tpu.memory_space<vmem>>, vector<16xi32>,
        tpu.vector_store %arg10[%swap3A_235], %select_n3A_234 {strides = array<i32>} : memref<25600xi32, #tpu.memory_space<vmem>>, vector<16xi32>,
        scf.yield %add3A_230 : vector<16xf32>
      }
      %scan3A_35 = arith.constant 200 : i32
      %reduce_sum3A_36 = arith.constant true
      %reduce_sum3A_37 = vector.broadcast %reduce_sum3A_36 : i1 to vector<16xi1>
      %reduce_sum3A_38 = tpu.scan <sum>, %scan3A_34 masked %reduce_sum3A_37 : vector<16xf32>, vector<16xi1> -> vector<16xf32>
      %reduce_sum3A_39 = vector.extract %reduce_sum3A_38[15] : f32 from vector<16xf32>
      %scan3A_40 = arith.constant 0 : i32
      %scan3A_41 = arith.constant 1065353215 : i32
      %scan3A_42 = arith.constant 0 : i32
      %scan3A_43 = arith.constant 30 : i32
      %scan3A_44 = arith.addi %scan3A_42, %scan3A_43 : i32
      %scan3A_45 = arith.constant 1 : i32
      %scan3A_46:2 = scf.for %scan3A_87 = %scan3A_42 to %scan3A_44 step %scan3A_45 iter_args(%scan3A_88 = %scan3A_40, %scan3A_89 = %scan3A_41) -> (i32, i32)  : i32 {
        %add3A_90 = arith.addi %scan3A_88, %scan3A_89 : i32
        %add3A_91 = arith.constant 1 : i32
        %add3A_92 = arith.addi %add3A_90, %add3A_91 : i32
        %shift_right_logical3A = arith.constant 1 : i32
        %shift_right_logical3A_93 = arith.shrui %add3A_92, %shift_right_logical3A : i32
        %broadcast_in_dim3A_94 = vector.broadcast %shift_right_logical3A_93 : i32 to vector<16xi32>
        %broadcast_in_dim3A_95 = arith.constant 0 : i32
        %broadcast_in_dim3A_96 = vector.broadcast %broadcast_in_dim3A_95 : i32 to vector<16xi32>
        %broadcast_in_dim3A_97 = arith.constant 1 : i32
        %broadcast_in_dim3A_98 = vector.broadcast %broadcast_in_dim3A_97 : i32 to vector<16xi32>
        %scan3A_99 = arith.constant 0 : i32
        %scan3A_100 = arith.constant 100 : i32
        %scan3A_101 = arith.addi %scan3A_99, %scan3A_100 : i32
        %scan3A_102 = arith.constant 1 : i32
        %scan3A_103:4 = scf.for %scan3A_116 = %scan3A_99 to %scan3A_101 step %scan3A_102 iter_args(%scan3A_117 = %broadcast_in_dim3A_96, %scan3A_118 = %broadcast_in_dim3A_96, %scan3A_119 = %broadcast_in_dim3A_96, %scan3A_120 = %broadcast_in_dim3A_96) -> (vector<16xi32>, vector<16xi32>, vector<16xi32>, vector<16xi32>)  : i32 {
          %mul3A_121 = arith.constant 256 : i32
          %mul3A_122 = arith.muli %scan3A_116, %mul3A_121 : i32
          %add3A_123 = arith.constant 0 : i32
          %add3A_124 = arith.addi %mul3A_122, %add3A_123 : i32
          %get3A = arith.index_cast %add3A_124 : i32 to index
          %get3A_125 = tpu.vector_load %arg10[%get3A] {strides = array<i32>} : memref<25600xi32, #tpu.memory_space<vmem>>, vector<16xi32>,
          %ge3A_126 = arith.cmpi sge, %get3A_125, %broadcast_in_dim3A_94 : vector<16xi32>
          %select_n3A_127 = arith.select %ge3A_126, %broadcast_in_dim3A_98, %broadcast_in_dim3A_96 : vector<16xi1>, vector<16xi32>
          %add3A_128 = arith.addi %scan3A_117, %select_n3A_127 : vector<16xi32>
          %add3A_129 = arith.constant 16 : i32
          %add3A_130 = arith.addi %mul3A_122, %add3A_129 : i32
          %get3A_131 = arith.index_cast %add3A_130 : i32 to index
          %get3A_132 = tpu.vector_load %arg10[%get3A_131] {strides = array<i32>} : memref<25600xi32, #tpu.memory_space<vmem>>, vector<16xi32>,
          %ge3A_133 = arith.cmpi sge, %get3A_132, %broadcast_in_dim3A_94 : vector<16xi32>
          %select_n3A_134 = arith.select %ge3A_133, %broadcast_in_dim3A_98, %broadcast_in_dim3A_96 : vector<16xi1>, vector<16xi32>
          %add3A_135 = arith.addi %scan3A_118, %select_n3A_134 : vector<16xi32>
          %add3A_136 = arith.constant 32 : i32
          %add3A_137 = arith.addi %mul3A_122, %add3A_136 : i32
          %get3A_138 = arith.index_cast %add3A_137 : i32 to index
          %get3A_139 = tpu.vector_load %arg10[%get3A_138] {strides = array<i32>} : memref<25600xi32, #tpu.memory_space<vmem>>, vector<16xi32>,
          %ge3A_140 = arith.cmpi sge, %get3A_139, %broadcast_in_dim3A_94 : vector<16xi32>
          %select_n3A_141 = arith.select %ge3A_140, %broadcast_in_dim3A_98, %broadcast_in_dim3A_96 : vector<16xi1>, vector<16xi32>
          %add3A_142 = arith.addi %scan3A_119, %select_n3A_141 : vector<16xi32>
          %add3A_143 = arith.constant 48 : i32
          %add3A_144 = arith.addi %mul3A_122, %add3A_143 : i32
          %get3A_145 = arith.index_cast %add3A_144 : i32 to index
          %get3A_146 = tpu.vector_load %arg10[%get3A_145] {strides = array<i32>} : memref<25600xi32, #tpu.memory_space<vmem>>, vector<16xi32>,
          %ge3A_147 = arith.cmpi sge, %get3A_146, %broadcast_in_dim3A_94 : vector<16xi32>
          %select_n3A_148 = arith.select %ge3A_147, %broadcast_in_dim3A_98, %broadcast_in_dim3A_96 : vector<16xi1>, vector<16xi32>
          %add3A_149 = arith.addi %scan3A_120, %select_n3A_148 : vector<16xi32>
          %add3A_150 = arith.constant 64 : i32
          %add3A_151 = arith.addi %mul3A_122, %add3A_150 : i32
          %get3A_152 = arith.index_cast %add3A_151 : i32 to index
          %get3A_153 = tpu.vector_load %arg10[%get3A_152] {strides = array<i32>} : memref<25600xi32, #tpu.memory_space<vmem>>, vector<16xi32>,
          %ge3A_154 = arith.cmpi sge, %get3A_153, %broadcast_in_dim3A_94 : vector<16xi32>
          %select_n3A_155 = arith.select %ge3A_154, %broadcast_in_dim3A_98, %broadcast_in_dim3A_96 : vector<16xi1>, vector<16xi32>
          %add3A_156 = arith.addi %add3A_128, %select_n3A_155 : vector<16xi32>
          %add3A_157 = arith.constant 80 : i32
          %add3A_158 = arith.addi %mul3A_122, %add3A_157 : i32
          %get3A_159 = arith.index_cast %add3A_158 : i32 to index
          %get3A_160 = tpu.vector_load %arg10[%get3A_159] {strides = array<i32>} : memref<25600xi32, #tpu.memory_space<vmem>>, vector<16xi32>,
          %ge3A_161 = arith.cmpi sge, %get3A_160, %broadcast_in_dim3A_94 : vector<16xi32>
          %select_n3A_162 = arith.select %ge3A_161, %broadcast_in_dim3A_98, %broadcast_in_dim3A_96 : vector<16xi1>, vector<16xi32>
          %add3A_163 = arith.addi %add3A_135, %select_n3A_162 : vector<16xi32>
          %add3A_164 = arith.constant 96 : i32
          %add3A_165 = arith.addi %mul3A_122, %add3A_164 : i32
          %get3A_166 = arith.index_cast %add3A_165 : i32 to index
          %get3A_167 = tpu.vector_load %arg10[%get3A_166] {strides = array<i32>} : memref<25600xi32, #tpu.memory_space<vmem>>, vector<16xi32>,
          %ge3A_168 = arith.cmpi sge, %get3A_167, %broadcast_in_dim3A_94 : vector<16xi32>
          %select_n3A_169 = arith.select %ge3A_168, %broadcast_in_dim3A_98, %broadcast_in_dim3A_96 : vector<16xi1>, vector<16xi32>
          %add3A_170 = arith.addi %add3A_142, %select_n3A_169 : vector<16xi32>
          %add3A_171 = arith.constant 112 : i32
          %add3A_172 = arith.addi %mul3A_122, %add3A_171 : i32
          %get3A_173 = arith.index_cast %add3A_172 : i32 to index
          %get3A_174 = tpu.vector_load %arg10[%get3A_173] {strides = array<i32>} : memref<25600xi32, #tpu.memory_space<vmem>>, vector<16xi32>,
          %ge3A_175 = arith.cmpi sge, %get3A_174, %broadcast_in_dim3A_94 : vector<16xi32>
          %select_n3A_176 = arith.select %ge3A_175, %broadcast_in_dim3A_98, %broadcast_in_dim3A_96 : vector<16xi1>, vector<16xi32>
          %add3A_177 = arith.addi %add3A_149, %select_n3A_176 : vector<16xi32>
          %add3A_178 = arith.constant 128 : i32
          %add3A_179 = arith.addi %mul3A_122, %add3A_178 : i32
          %get3A_180 = arith.index_cast %add3A_179 : i32 to index
          %get3A_181 = tpu.vector_load %arg10[%get3A_180] {strides = array<i32>} : memref<25600xi32, #tpu.memory_space<vmem>>, vector<16xi32>,
          %ge3A_182 = arith.cmpi sge, %get3A_181, %broadcast_in_dim3A_94 : vector<16xi32>
          %select_n3A_183 = arith.select %ge3A_182, %broadcast_in_dim3A_98, %broadcast_in_dim3A_96 : vector<16xi1>, vector<16xi32>
          %add3A_184 = arith.addi %add3A_156, %select_n3A_183 : vector<16xi32>
          %add3A_185 = arith.constant 144 : i32
          %add3A_186 = arith.addi %mul3A_122, %add3A_185 : i32
          %get3A_187 = arith.index_cast %add3A_186 : i32 to index
          %get3A_188 = tpu.vector_load %arg10[%get3A_187] {strides = array<i32>} : memref<25600xi32, #tpu.memory_space<vmem>>, vector<16xi32>,
          %ge3A_189 = arith.cmpi sge, %get3A_188, %broadcast_in_dim3A_94 : vector<16xi32>
          %select_n3A_190 = arith.select %ge3A_189, %broadcast_in_dim3A_98, %broadcast_in_dim3A_96 : vector<16xi1>, vector<16xi32>
          %add3A_191 = arith.addi %add3A_163, %select_n3A_190 : vector<16xi32>
          %add3A_192 = arith.constant 160 : i32
          %add3A_193 = arith.addi %mul3A_122, %add3A_192 : i32
          %get3A_194 = arith.index_cast %add3A_193 : i32 to index
          %get3A_195 = tpu.vector_load %arg10[%get3A_194] {strides = array<i32>} : memref<25600xi32, #tpu.memory_space<vmem>>, vector<16xi32>,
          %ge3A_196 = arith.cmpi sge, %get3A_195, %broadcast_in_dim3A_94 : vector<16xi32>
          %select_n3A_197 = arith.select %ge3A_196, %broadcast_in_dim3A_98, %broadcast_in_dim3A_96 : vector<16xi1>, vector<16xi32>
          %add3A_198 = arith.addi %add3A_170, %select_n3A_197 : vector<16xi32>
          %add3A_199 = arith.constant 176 : i32
          %add3A_200 = arith.addi %mul3A_122, %add3A_199 : i32
          %get3A_201 = arith.index_cast %add3A_200 : i32 to index
          %get3A_202 = tpu.vector_load %arg10[%get3A_201] {strides = array<i32>} : memref<25600xi32, #tpu.memory_space<vmem>>, vector<16xi32>,
          %ge3A_203 = arith.cmpi sge, %get3A_202, %broadcast_in_dim3A_94 : vector<16xi32>
          %select_n3A_204 = arith.select %ge3A_203, %broadcast_in_dim3A_98, %broadcast_in_dim3A_96 : vector<16xi1>, vector<16xi32>
          %add3A_205 = arith.addi %add3A_177, %select_n3A_204 : vector<16xi32>
          %add3A_206 = arith.constant 192 : i32
          %add3A_207 = arith.addi %mul3A_122, %add3A_206 : i32
          %get3A_208 = arith.index_cast %add3A_207 : i32 to index
          %get3A_209 = tpu.vector_load %arg10[%get3A_208] {strides = array<i32>} : memref<25600xi32, #tpu.memory_space<vmem>>, vector<16xi32>,
          %ge3A_210 = arith.cmpi sge, %get3A_209, %broadcast_in_dim3A_94 : vector<16xi32>
          %select_n3A_211 = arith.select %ge3A_210, %broadcast_in_dim3A_98, %broadcast_in_dim3A_96 : vector<16xi1>, vector<16xi32>
          %add3A_212 = arith.addi %add3A_184, %select_n3A_211 : vector<16xi32>
          %add3A_213 = arith.constant 208 : i32
          %add3A_214 = arith.addi %mul3A_122, %add3A_213 : i32
          %get3A_215 = arith.index_cast %add3A_214 : i32 to index
          %get3A_216 = tpu.vector_load %arg10[%get3A_215] {strides = array<i32>} : memref<25600xi32, #tpu.memory_space<vmem>>, vector<16xi32>,
          %ge3A_217 = arith.cmpi sge, %get3A_216, %broadcast_in_dim3A_94 : vector<16xi32>
          %select_n3A_218 = arith.select %ge3A_217, %broadcast_in_dim3A_98, %broadcast_in_dim3A_96 : vector<16xi1>, vector<16xi32>
          %add3A_219 = arith.addi %add3A_191, %select_n3A_218 : vector<16xi32>
          %add3A_220 = arith.constant 224 : i32
          %add3A_221 = arith.addi %mul3A_122, %add3A_220 : i32
          %get3A_222 = arith.index_cast %add3A_221 : i32 to index
          %get3A_223 = tpu.vector_load %arg10[%get3A_222] {strides = array<i32>} : memref<25600xi32, #tpu.memory_space<vmem>>, vector<16xi32>,
          %ge3A_224 = arith.cmpi sge, %get3A_223, %broadcast_in_dim3A_94 : vector<16xi32>
          %select_n3A_225 = arith.select %ge3A_224, %broadcast_in_dim3A_98, %broadcast_in_dim3A_96 : vector<16xi1>, vector<16xi32>
          %add3A_226 = arith.addi %add3A_198, %select_n3A_225 : vector<16xi32>
          %add3A_227 = arith.constant 240 : i32
          %add3A_228 = arith.addi %mul3A_122, %add3A_227 : i32
          %get3A_229 = arith.index_cast %add3A_228 : i32 to index
          %get3A_230 = tpu.vector_load %arg10[%get3A_229] {strides = array<i32>} : memref<25600xi32, #tpu.memory_space<vmem>>, vector<16xi32>,
          %ge3A_231 = arith.cmpi sge, %get3A_230, %broadcast_in_dim3A_94 : vector<16xi32>
          %select_n3A_232 = arith.select %ge3A_231, %broadcast_in_dim3A_98, %broadcast_in_dim3A_96 : vector<16xi1>, vector<16xi32>
          %add3A_233 = arith.addi %add3A_205, %select_n3A_232 : vector<16xi32>
          scf.yield %add3A_212, %add3A_219, %add3A_226, %add3A_233 : vector<16xi32>, vector<16xi32>, vector<16xi32>, vector<16xi32>
        }
        %scan3A_104 = arith.constant 100 : i32
        %add3A_105 = arith.addi %scan3A_103#0, %scan3A_103#1 : vector<16xi32>
        %add3A_106 = arith.addi %add3A_105, %scan3A_103#2 : vector<16xi32>
        %add3A_107 = arith.addi %add3A_106, %scan3A_103#3 : vector<16xi32>
        %reduce_sum3A_108 = arith.constant true
        %reduce_sum3A_109 = vector.broadcast %reduce_sum3A_108 : i1 to vector<16xi1>
        %reduce_sum3A_110 = tpu.scan <sum>, %add3A_107 masked %reduce_sum3A_109 : vector<16xi32>, vector<16xi1> -> vector<16xi32>
        %reduce_sum3A_111 = vector.extract %reduce_sum3A_110[15] : i32 from vector<16xi32>
        %ge3A = arith.constant 512 : i32
        %ge3A_112 = arith.cmpi sge, %reduce_sum3A_111, %ge3A : i32
        %select_n3A = arith.select %ge3A_112, %shift_right_logical3A_93, %scan3A_88 : i32
        %sub3A_113 = arith.constant 1 : i32
        %sub3A_114 = arith.subi %shift_right_logical3A_93, %sub3A_113 : i32
        %select_n3A_115 = arith.select %ge3A_112, %scan3A_89, %sub3A_114 : i32
        scf.yield %select_n3A, %select_n3A_115 : i32, i32
      }
      %scan3A_47 = arith.constant 30 : i32
      %broadcast_in_dim3A_48 = vector.broadcast %scan3A_46#0 : i32 to vector<16xi32>
      %scan3A_49 = arith.constant 0 : i32
      %scan3A_50 = arith.constant 200 : i32
      %scan3A_51 = arith.addi %scan3A_49, %scan3A_50 : i32
      %scan3A_52 = arith.constant 1 : i32
      %scan3A_53 = scf.for %scan3A_87 = %scan3A_49 to %scan3A_51 step %scan3A_52 iter_args(%scan3A_88 = %broadcast_in_dim3A_5) -> (vector<16xf32>)  : i32 {
        %mul3A_89 = arith.constant 128 : i32
        %mul3A_90 = arith.muli %scan3A_87, %mul3A_89 : i32
        %add3A_91 = arith.constant 0 : i32
        %add3A_92 = arith.addi %mul3A_90, %add3A_91 : i32
        %get3A = arith.index_cast %add3A_92 : i32 to index
        %get3A_93 = tpu.vector_load %arg10[%get3A] {strides = array<i32>} : memref<25600xi32, #tpu.memory_space<vmem>>, vector<16xi32>,
        %get3A_94 = arith.index_cast %add3A_92 : i32 to index
        %get3A_95 = tpu.vector_load %arg8[%get3A_94] {strides = array<i32>} : memref<25600xf32, #tpu.memory_space<vmem>>, vector<16xf32>,
        %ge3A = arith.cmpi sge, %get3A_93, %broadcast_in_dim3A_48 : vector<16xi32>
        %select_n3A = arith.select %ge3A, %get3A_95, %broadcast_in_dim3A_5 : vector<16xi1>, vector<16xf32>
        %add3A_96 = arith.addf %scan3A_88, %select_n3A : vector<16xf32>
        %mul3A_97 = arith.constant 128 : i32
        %mul3A_98 = arith.muli %scan3A_87, %mul3A_97 : i32
        %add3A_99 = arith.constant 16 : i32
        %add3A_100 = arith.addi %mul3A_98, %add3A_99 : i32
        %get3A_101 = arith.index_cast %add3A_100 : i32 to index
        %get3A_102 = tpu.vector_load %arg10[%get3A_101] {strides = array<i32>} : memref<25600xi32, #tpu.memory_space<vmem>>, vector<16xi32>,
        %get3A_103 = arith.index_cast %add3A_100 : i32 to index
        %get3A_104 = tpu.vector_load %arg8[%get3A_103] {strides = array<i32>} : memref<25600xf32, #tpu.memory_space<vmem>>, vector<16xf32>,
        %ge3A_105 = arith.cmpi sge, %get3A_102, %broadcast_in_dim3A_48 : vector<16xi32>
        %select_n3A_106 = arith.select %ge3A_105, %get3A_104, %broadcast_in_dim3A_5 : vector<16xi1>, vector<16xf32>
        %add3A_107 = arith.addf %add3A_96, %select_n3A_106 : vector<16xf32>
        %mul3A_108 = arith.constant 128 : i32
        %mul3A_109 = arith.muli %scan3A_87, %mul3A_108 : i32
        %add3A_110 = arith.constant 32 : i32
        %add3A_111 = arith.addi %mul3A_109, %add3A_110 : i32
        %get3A_112 = arith.index_cast %add3A_111 : i32 to index
        %get3A_113 = tpu.vector_load %arg10[%get3A_112] {strides = array<i32>} : memref<25600xi32, #tpu.memory_space<vmem>>, vector<16xi32>,
        %get3A_114 = arith.index_cast %add3A_111 : i32 to index
        %get3A_115 = tpu.vector_load %arg8[%get3A_114] {strides = array<i32>} : memref<25600xf32, #tpu.memory_space<vmem>>, vector<16xf32>,
        %ge3A_116 = arith.cmpi sge, %get3A_113, %broadcast_in_dim3A_48 : vector<16xi32>
        %select_n3A_117 = arith.select %ge3A_116, %get3A_115, %broadcast_in_dim3A_5 : vector<16xi1>, vector<16xf32>
        %add3A_118 = arith.addf %add3A_107, %select_n3A_117 : vector<16xf32>
        %mul3A_119 = arith.constant 128 : i32
        %mul3A_120 = arith.muli %scan3A_87, %mul3A_119 : i32
        %add3A_121 = arith.constant 48 : i32
        %add3A_122 = arith.addi %mul3A_120, %add3A_121 : i32
        %get3A_123 = arith.index_cast %add3A_122 : i32 to index
        %get3A_124 = tpu.vector_load %arg10[%get3A_123] {strides = array<i32>} : memref<25600xi32, #tpu.memory_space<vmem>>, vector<16xi32>,
        %get3A_125 = arith.index_cast %add3A_122 : i32 to index
        %get3A_126 = tpu.vector_load %arg8[%get3A_125] {strides = array<i32>} : memref<25600xf32, #tpu.memory_space<vmem>>, vector<16xf32>,
        %ge3A_127 = arith.cmpi sge, %get3A_124, %broadcast_in_dim3A_48 : vector<16xi32>
        %select_n3A_128 = arith.select %ge3A_127, %get3A_126, %broadcast_in_dim3A_5 : vector<16xi1>, vector<16xf32>
        %add3A_129 = arith.addf %add3A_118, %select_n3A_128 : vector<16xf32>
        %mul3A_130 = arith.constant 128 : i32
        %mul3A_131 = arith.muli %scan3A_87, %mul3A_130 : i32
        %add3A_132 = arith.constant 64 : i32
        %add3A_133 = arith.addi %mul3A_131, %add3A_132 : i32
        %get3A_134 = arith.index_cast %add3A_133 : i32 to index
        %get3A_135 = tpu.vector_load %arg10[%get3A_134] {strides = array<i32>} : memref<25600xi32, #tpu.memory_space<vmem>>, vector<16xi32>,
        %get3A_136 = arith.index_cast %add3A_133 : i32 to index
        %get3A_137 = tpu.vector_load %arg8[%get3A_136] {strides = array<i32>} : memref<25600xf32, #tpu.memory_space<vmem>>, vector<16xf32>,
        %ge3A_138 = arith.cmpi sge, %get3A_135, %broadcast_in_dim3A_48 : vector<16xi32>
        %select_n3A_139 = arith.select %ge3A_138, %get3A_137, %broadcast_in_dim3A_5 : vector<16xi1>, vector<16xf32>
        %add3A_140 = arith.addf %add3A_129, %select_n3A_139 : vector<16xf32>
        %mul3A_141 = arith.constant 128 : i32
        %mul3A_142 = arith.muli %scan3A_87, %mul3A_141 : i32
        %add3A_143 = arith.constant 80 : i32
        %add3A_144 = arith.addi %mul3A_142, %add3A_143 : i32
        %get3A_145 = arith.index_cast %add3A_144 : i32 to index
        %get3A_146 = tpu.vector_load %arg10[%get3A_145] {strides = array<i32>} : memref<25600xi32, #tpu.memory_space<vmem>>, vector<16xi32>,
        %get3A_147 = arith.index_cast %add3A_144 : i32 to index
        %get3A_148 = tpu.vector_load %arg8[%get3A_147] {strides = array<i32>} : memref<25600xf32, #tpu.memory_space<vmem>>, vector<16xf32>,
        %ge3A_149 = arith.cmpi sge, %get3A_146, %broadcast_in_dim3A_48 : vector<16xi32>
        %select_n3A_150 = arith.select %ge3A_149, %get3A_148, %broadcast_in_dim3A_5 : vector<16xi1>, vector<16xf32>
        %add3A_151 = arith.addf %add3A_140, %select_n3A_150 : vector<16xf32>
        %mul3A_152 = arith.constant 128 : i32
        %mul3A_153 = arith.muli %scan3A_87, %mul3A_152 : i32
        %add3A_154 = arith.constant 96 : i32
        %add3A_155 = arith.addi %mul3A_153, %add3A_154 : i32
        %get3A_156 = arith.index_cast %add3A_155 : i32 to index
        %get3A_157 = tpu.vector_load %arg10[%get3A_156] {strides = array<i32>} : memref<25600xi32, #tpu.memory_space<vmem>>, vector<16xi32>,
        %get3A_158 = arith.index_cast %add3A_155 : i32 to index
        %get3A_159 = tpu.vector_load %arg8[%get3A_158] {strides = array<i32>} : memref<25600xf32, #tpu.memory_space<vmem>>, vector<16xf32>,
        %ge3A_160 = arith.cmpi sge, %get3A_157, %broadcast_in_dim3A_48 : vector<16xi32>
        %select_n3A_161 = arith.select %ge3A_160, %get3A_159, %broadcast_in_dim3A_5 : vector<16xi1>, vector<16xf32>
        %add3A_162 = arith.addf %add3A_151, %select_n3A_161 : vector<16xf32>
        %mul3A_163 = arith.constant 128 : i32
        %mul3A_164 = arith.muli %scan3A_87, %mul3A_163 : i32
        %add3A_165 = arith.constant 112 : i32
        %add3A_166 = arith.addi %mul3A_164, %add3A_165 : i32
        %get3A_167 = arith.index_cast %add3A_166 : i32 to index
        %get3A_168 = tpu.vector_load %arg10[%get3A_167] {strides = array<i32>} : memref<25600xi32, #tpu.memory_space<vmem>>, vector<16xi32>,
        %get3A_169 = arith.index_cast %add3A_166 : i32 to index
        %get3A_170 = tpu.vector_load %arg8[%get3A_169] {strides = array<i32>} : memref<25600xf32, #tpu.memory_space<vmem>>, vector<16xf32>,
        %ge3A_171 = arith.cmpi sge, %get3A_168, %broadcast_in_dim3A_48 : vector<16xi32>
        %select_n3A_172 = arith.select %ge3A_171, %get3A_170, %broadcast_in_dim3A_5 : vector<16xi1>, vector<16xf32>
        %add3A_173 = arith.addf %add3A_162, %select_n3A_172 : vector<16xf32>
        scf.yield %add3A_173 : vector<16xf32>
      }
      %scan3A_54 = arith.constant 200 : i32
      %reduce_sum3A_55 = arith.constant true
      %reduce_sum3A_56 = vector.broadcast %reduce_sum3A_55 : i1 to vector<16xi1>
      %reduce_sum3A_57 = tpu.scan <sum>, %scan3A_53 masked %reduce_sum3A_56 : vector<16xf32>, vector<16xi1> -> vector<16xf32>
      %reduce_sum3A_58 = vector.extract %reduce_sum3A_57[15] : f32 from vector<16xf32>
      %broadcast_in_dim3A_59 = arith.constant 1.000000e-07 : f32
      %broadcast_in_dim3A_60 = vector.broadcast %broadcast_in_dim3A_59 : f32 to vector<16xf32>
      %broadcast_in_dim3A_61 = arith.constant 1.000000e+00 : f32
      %broadcast_in_dim3A_62 = vector.broadcast %broadcast_in_dim3A_61 : f32 to vector<16xf32>
      %broadcast_in_dim3A_63 = arith.constant 2.000000e+00 : f32
      %broadcast_in_dim3A_64 = vector.broadcast %broadcast_in_dim3A_63 : f32 to vector<16xf32>
      %broadcast_in_dim3A_65 = vector.broadcast %reduce_sum3A_20 : f32 to vector<16xf32>
      %broadcast_in_dim3A_66 = vector.broadcast %convert_element_type3A_16 : f32 to vector<16xf32>
      %broadcast_in_dim3A_67 = vector.broadcast %reduce_sum3A_39 : f32 to vector<16xf32>
      %broadcast_in_dim3A_68 = vector.broadcast %reduce_sum3A_58 : f32 to vector<16xf32>
      %add3A_69 = arith.addf %broadcast_in_dim3A_65, %broadcast_in_dim3A_60 : vector<16xf32>
      %mul3A_70 = arith.mulf %broadcast_in_dim3A_64, %add3A_69 : vector<16xf32>
      %add3A_71 = arith.addf %broadcast_in_dim3A_65, %broadcast_in_dim3A_66 : vector<16xf32>
      %add3A_72 = arith.addf %add3A_71, %broadcast_in_dim3A_60 : vector<16xf32>
      %div3A = arith.divf %mul3A_70, %add3A_72 : vector<16xf32>
      %sub3A = arith.subf %broadcast_in_dim3A_62, %div3A : vector<16xf32>
      %mul3A_73 = arith.mulf %broadcast_in_dim3A_64, %broadcast_in_dim3A_60 : vector<16xf32>
      %add3A_74 = arith.addf %broadcast_in_dim3A_67, %broadcast_in_dim3A_60 : vector<16xf32>
      %div3A_75 = arith.divf %mul3A_73, %add3A_74 : vector<16xf32>
      %sub3A_76 = arith.subf %broadcast_in_dim3A_62, %div3A_75 : vector<16xf32>
      %mul3A_77 = arith.mulf %broadcast_in_dim3A_64, %broadcast_in_dim3A_60 : vector<16xf32>
      %add3A_78 = arith.addf %broadcast_in_dim3A_68, %broadcast_in_dim3A_60 : vector<16xf32>
      %div3A_79 = arith.divf %mul3A_77, %add3A_78 : vector<16xf32>
      %sub3A_80 = arith.subf %broadcast_in_dim3A_62, %div3A_79 : vector<16xf32>
      %add3A_81 = arith.addf %sub3A, %sub3A_76 : vector<16xf32>
      %add3A_82 = arith.addf %add3A_81, %sub3A_80 : vector<16xf32>
      %broadcast_in_dim3A_83 = arith.constant 1.024000e+03 : f32
      %broadcast_in_dim3A_84 = vector.broadcast %broadcast_in_dim3A_83 : f32 to vector<16xf32>
      %div3A_85 = arith.divf %add3A_82, %broadcast_in_dim3A_84 : vector<16xf32>
      %swap3A = arith.constant 0 : index
      %swap3A_86 = tpu.vector_load %arg11[%swap3A] {strides = array<i32>} : memref<16xf32, #tpu.memory_space<vmem>>, vector<16xf32>,
      tpu.vector_store %arg11[%swap3A], %div3A_85 {strides = array<i32>} : memref<16xf32, #tpu.memory_space<vmem>>, vector<16xf32>,
      "tpu.region"() ({
        %run_scoped3A = tpu.sem_alloc : memref<!tpu.dma_semaphore, #tpu.memory_space<semaphore_mem>>
        %dma_start3A = arith.constant 0 : i32
        %dma_start3A_87 = tpu.memref_slice %arg6[%add3A, %dma_start3A] : memref<8x16xf32, #tpu.memory_space<hbm>> -> memref<1x16xf32, #tpu.memory_space<hbm>>
        %dma_start3A_88 = tpu.memref_squeeze %dma_start3A_87 : memref<1x16xf32, #tpu.memory_space<hbm>> -> memref<16xf32, #tpu.memory_space<hbm>>
        %dma_start3A_89 = arith.constant 0 : i32
        %dma_start3A_90 = tpu.memref_slice %arg6[%add3A, %dma_start3A_89] : memref<8x16xf32, #tpu.memory_space<hbm>> -> memref<1x16xf32, #tpu.memory_space<hbm>>
        %dma_start3A_91 = tpu.memref_squeeze %dma_start3A_90 : memref<1x16xf32, #tpu.memory_space<hbm>> -> memref<16xf32, #tpu.memory_space<hbm>>
        tpu.enqueue_dma source(%arg11 : memref<16xf32, #tpu.memory_space<vmem>>) target(%dma_start3A_91 : memref<16xf32, #tpu.memory_space<hbm>>) target_semaphore(%run_scoped3A : memref<!tpu.dma_semaphore, #tpu.memory_space<semaphore_mem>>)
        %dma_wait3A = arith.constant 0 : i32
        %dma_wait3A_92 = tpu.memref_slice %arg6[%add3A, %dma_wait3A] : memref<8x16xf32, #tpu.memory_space<hbm>> -> memref<1x16xf32, #tpu.memory_space<hbm>>
        %dma_wait3A_93 = tpu.memref_squeeze %dma_wait3A_92 : memref<1x16xf32, #tpu.memory_space<hbm>> -> memref<16xf32, #tpu.memory_space<hbm>>
        %dma_wait3A_94 = arith.constant 0 : i32
        %dma_wait3A_95 = tpu.memref_slice %arg6[%add3A, %dma_wait3A_94] : memref<8x16xf32, #tpu.memory_space<hbm>> -> memref<1x16xf32, #tpu.memory_space<hbm>>
        %dma_wait3A_96 = tpu.memref_squeeze %dma_wait3A_95 : memref<1x16xf32, #tpu.memory_space<hbm>> -> memref<16xf32, #tpu.memory_space<hbm>>
        tpu.wait_dma2 semaphore(%run_scoped3A : memref<!tpu.dma_semaphore, #tpu.memory_space<semaphore_mem>>) src(%arg11 : memref<16xf32, #tpu.memory_space<vmem>>) dst(%dma_wait3A_96 : memref<16xf32, #tpu.memory_space<hbm>>)
        tpu.yield
      }) : () -> ()
    } else {
    }
    return
  }
}

</mosaic_0001>

<sc_bundles>
// kernel: kernel.3.cloned.1.call-start
scs
__scs_entry_jumppad:
0x0: {  	(pc) =	sbr.rel $0x88, $3  }
0x1: {  	(tag) =	ssettag $0x0;
	lr =	simm.s32 $0x1  }
0x2: {  	[smem:$0x3F9E] =	sst lr;
	_ =	strace $0xD0000000  }
0x3: {  	_ = 	snop  }
0x4: {  	_ = 	snop  }
0x5: {  	_ = 	snop  }
0x6: {  	_ = 	snop  }
0x7: {  	_ = 	snop  }
__scs_overlays_trampoline_lowered:
0x8: {  	[smem:$0x3FAD] =	sst s0  }
0x9: {  	[smem:$0x3FAE] =	sst s1  }
0xa: {  	[smem:$0x3FAF] =	sst s2  }
0xb: {  	[smem:$0x3FB0] =	sst s3  }
0xc: {  	[smem:$0x3FB1] =	sst s4  }
0xd: {  	[smem:$0x3FB2] =	sst s5  }
0xe: {  	[smem:$0x3FB3] =	sst s6  }
0xf: {  	[smem:$0x3FB4] =	sst s7  }
0x10: {  	[smem:$0x3FB5] =	sst s8  }
0x11: {  	[smem:$0x3FB6] =	sst s9;
	s0 =	simm.s32 @!p0 $0x0  }
0x12: {  	s1 =	sld [smem:$0x3F9C];
	s0 =	simm.s32 @p0 $0x1  }
0x13: {  	[smem:$0x3FB7] =	sst s0;
	s0 =	simm.s32 @!p1 $0x0  }
0x14: {  	s2 =	sld [smem:$0x3F9B];
	s0 =	simm.s32 @p1 $0x1  }
0x15: {  	[smem:$0x3FB8] =	sst s0;
	s0 =	simm.s32 @!p2 $0x0  }
0x16: {  	s3 =	sld [smem:$0x3FDB];
	s0 =	simm.s32 @p2 $0x1  }
0x17: {  	s4 =	simm.s32 $0x1BF5;
	[smem:$0x3FBA] =	sst s0  }
0x18: {  	s0 =	sld [smem:$0x3F9D];
	_ =	swait.ge [sflag:s4], $0x0  }
0x19: {  	s7 =	sld [smem:$0x3F9E]  }
0x1a: {  	s8 =	sadd.s32 $0xFFFFE003, lr  }
0x1b: {  	s9 =	sadd.s32 $0xFFFFFEF7, lr;
	s5 =	simm.s32 $0xFFFFFFFF;
	p2 =	slt.u32 s8, $0xFFFFF086  }
0x1c: {  	p1 =	slt.u32 s9, $0xF7A;
	s5 =	simm.s32 @!p2 $0x0  }
0x1d: {  	s5 =	simm.s32 @p1 $0x1;
	p0 =	seq.s32 s7, s2  }
0x1e: {  	s7 =	smul.u32 @!p0 $0xF7A, s2;
	p2 =	seq.s32 @!p0 s5, $0x0  }
0x1f: {  	s9 =	smul.u32 $0xF7A, s1;
	s8 =	simm.s32 @!p0 $0x1BF5;
	p2 =	por !p2, p0  }
0x20: {  	[sflag:s8] =	ssyncset.s32 @!p0 $0xFFFFF086;
	s6 =	sadd.s32 @!p0 s3, s7;
	s7 =	simm.s32 @!p0 $0x108  }
0x21: {  	s3 =	sadd.s32 s3, s9;
	s6 =	sadd.s32 @!p0 $0x88, s6;
	s7 =	simm.s32 @p2 $0x1082  }
0x22: {  	[simem:s7], [sflag:s8] =	dma.local @!p0 [hbm:s6], $0xF7A  }
0x23: {  	s9 =	sor.u32 $0xD0000000, s2;
	s6 =	simm.s32 $0x108;
	_ =	swait.ge @!p0 [sflag:s8], $0x0  }
0x24: {  	s3 =	sadd.s32 $0x88, s3;
	s6 =	simm.s32 @!p1 $0x1082;
	[sflag:s4] =	ssyncset.s32 $0xFFFFF086  }
0x25: {  	[simem:s6], [sflag:s4] =	dma.local [hbm:s3], $0xF7A  }
0x26: {  	[smem:$0x3F9E] =	sst s1;
	(tag) =	ssettag s2;
	_ =	strace s9  }
0x27: {  	s1 =	sld [smem:$0x3FAE]  }
0x28: {  	s2 =	sld [smem:$0x3FAF]  }
0x29: {  	s4 =	sld [smem:$0x3FB1]  }
0x2a: {  	p0 =	seq.s32 s5, $0x0;
	s5 =	sld [smem:$0x3FB2]  }
0x2b: {  	s6 =	sld [smem:$0x3FB3]  }
0x2c: {  	s7 =	sld [smem:$0x3FB4]  }
0x2d: {  	s3 =	simm.s32 $0x108;
	s8 =	sld [smem:$0x3FB5]  }
0x2e: {  	s3 =	simm.s32 @!p0 $0x1082;
	s9 =	sld [smem:$0x3FB6]  }
0x2f: {  	lr =	sadd.s32 s0, s3;
	s0 =	sld [smem:$0x3FAD]  }
0x30: {  	s3 =	sld [smem:$0x3FB0]  }
0x31: {  	[smem:$0x3FB9] =	sst s10  }
0x32: {  	s10 =	sld [smem:$0x3FB7];
	_ =	sdelay $0x3  }
0x33: {  	p0 =	seq.s32 s10, $0x1;
	s10 =	sld [smem:$0x3FB9];
	_ =	sdelay $0x3  }
0x34: {  	[smem:$0x3FB9] =	sst s10  }
0x35: {  	s10 =	sld [smem:$0x3FB8];
	_ =	sdelay $0x3  }
0x36: {  	p1 =	seq.s32 s10, $0x1;
	s10 =	sld [smem:$0x3FB9];
	_ =	sdelay $0x3  }
0x37: {  	[smem:$0x3FB9] =	sst s10  }
0x38: {  	s10 =	sld [smem:$0x3FBA]  }
0x39: {  	_ = 	snop;
	(pc) =	sbr.ind lr, $3  }
0x3a: {  	_ = 	snop  }
0x3b: {  	_ = 	snop  }
0x3c: {  	p2 =	seq.s32 s10, $0x1;
	s10 =	sld [smem:$0x3FB9]  }
0x3d: {  	_ =	shalt  }
0x3e: {  	_ =	shalt  }
0x3f: {  	_ =	shalt  }
0x40: {  	_ =	shalt  }
0x41: {  	_ =	shalt  }
0x42: {  	_ =	shalt  }
0x43: {  	_ =	shalt  }
0x44: {  	_ =	shalt  }
0x45: {  	_ =	shalt  }
0x46: {  	_ =	shalt  }
0x47: {  	_ =	shalt  }
0x48: {  	_ =	shalt  }
0x49: {  	_ =	shalt  }
0x4a: {  	_ =	shalt  }
0x4b: {  	_ =	shalt  }
0x4c: {  	_ =	shalt  }
0x4d: {  	_ =	shalt  }
0x4e: {  	_ =	shalt  }
0x4f: {  	_ =	shalt  }
0x50: {  	_ =	shalt  }
0x51: {  	_ =	shalt  }
0x52: {  	_ =	shalt  }
0x53: {  	_ =	shalt  }
0x54: {  	_ =	shalt  }
0x55: {  	_ =	shalt  }
0x56: {  	_ =	shalt  }
0x57: {  	_ =	shalt  }
0x58: {  	_ =	shalt  }
0x59: {  	_ =	shalt  }
0x5a: {  	_ =	shalt  }
0x5b: {  	_ =	shalt  }
0x5c: {  	_ =	shalt  }
0x5d: {  	_ =	shalt  }
0x5e: {  	_ =	shalt  }
0x5f: {  	_ =	shalt  }
0x60: {  	_ =	shalt  }
0x61: {  	_ =	shalt  }
0x62: {  	_ =	shalt  }
0x63: {  	_ =	shalt  }
0x64: {  	_ =	shalt  }
0x65: {  	_ =	shalt  }
0x66: {  	_ =	shalt  }
0x67: {  	_ =	shalt  }
0x68: {  	_ =	shalt  }
0x69: {  	_ =	shalt  }
0x6a: {  	_ =	shalt  }
0x6b: {  	_ =	shalt  }
0x6c: {  	_ =	shalt  }
0x6d: {  	_ =	shalt  }
0x6e: {  	_ =	shalt  }
0x6f: {  	_ =	shalt  }
0x70: {  	_ =	shalt  }
0x71: {  	_ =	shalt  }
0x72: {  	_ =	shalt  }
0x73: {  	_ =	shalt  }
0x74: {  	_ =	shalt  }
0x75: {  	_ =	shalt  }
0x76: {  	_ =	shalt  }
0x77: {  	_ =	shalt  }
0x78: {  	_ =	shalt  }
0x79: {  	_ =	shalt  }
0x7a: {  	_ =	shalt  }
0x7b: {  	_ =	shalt  }
0x7c: {  	_ =	shalt  }
0x7d: {  	_ =	shalt  }
0x7e: {  	_ =	shalt  }
0x7f: {  	_ =	shalt  }
0x80: {  	_ =	shalt  }
0x81: {  	_ =	shalt  }
0x82: {  	_ =	shalt  }
0x83: {  	_ =	shalt  }
0x84: {  	_ =	shalt  }
0x85: {  	_ =	shalt  }
0x86: {  	_ =	shalt  }
0x87: {  	_ =	shalt  }
.Lfunc_end0:
.L_simem_size_0:
called_computation_lowered:
.L_overlay_start_0:
0x88: {  	s2 =	sld [smem:$0x3FD9]  }
0x89: {  	s3 =	sld [smem:$0x3FFE];
	_ =	sdelay $0x1  }
0x8a: {  	s1 =	srdreg.scid  }
0x8b: {  	s0 =	sand.u32 $0x1, s1  }
0x8c: {  	s16 =	sshll.u32 s0, $0xA;
	s2 =	sadd.s32 s3, s2  }
0x8d: {  	s2 =	sadd.s32 s2, s16  }
0x8e: {  	[smem:$0x3FC5] =	sst s2  }
0x8f: {  	_ = 	snop  }
0x90: {  	(tm) =	ssettm $0x1  }
0x91: {  	s17 =	sld [smem:$0x3FFB];
	_ =	sdelay $0x3  }
0x92: {  	_ =	strace s17  }
0x93: {  	s2 =	sld [smem:$0x3FFC];
	_ =	sdelay $0x3  }
0x94: {  	_ =	strace s2  }
0x95: {  	s2 =	sld [smem:$0x3FFD];
	_ =	sdelay $0x3  }
0x96: {  	_ =	strace s2  }
0x97: {  	_ =	strace $0x8FFFFFFF  }
0x98: {  	s18 =	sld [smem:$0x3FDB];
	_ =	sdelay $0x1  }
0x99: {  	s19 =	simm.s32 $_scs_section_size  }
0x9a: {  	s4 =	simm.s32 $_size__tile_overlayer_lowered;
	s5 =	simm.s32 $_tile_overlayer_lowered  }
0x9b: {  	s22 =	simm.s32 $0x1BFF;
	s21 =	sshll.u32 s5, $0x1;
	s2 =	sadd.s32 s19, s18  }
0x9c: {  	s6 =	simm.s32 $0x0;
	s20 =	sshll.u32 s4, $0x1;
	s4 =	sadd.s32 s21, s2  }
0x9d: {  	[timem:s6], [sflag:s22] =	dma.local [hbm:s4], s20  }
0x9e: {  	_ =	swait.ge [sflag:s22], s20  }
0x9f: {  	s3 =	ssub.s32 $0x0, s20;
	[sflag:s22] =	ssyncset.done $0x0  }
0xa0: {  	[sflag:s22] =	ssyncadd.s32 s3;
	_ =	sdelay $0x1  }
0xa1: {  	s23 =	simm.s32 $0x1B8B  }
0xa2: {  	_ =	swait.ge [sflag:s23], $0x1  }
0xa3: {  	[sflag:s23] =	ssyncset.done $0x0  }
0xa4: {  	s25 =	simm.s32 $0x1B8E;
	s24 =	sld [smem:$0x3FFE];
	[sflag:s23] =	ssyncadd.s32 $0xFFFFFFFF  }
0xa5: {  	s26 =	simm.s32 $execute0_lowered;
	[smem:$0x3FD2] =	sst s25  }
0xa6: {  	s4 =	sshll.u32 s26, $0x1;
	_ =	strace $0x80000046;
	[dreg:$0x1] =	wrdreg $0xFFFFFFFF  }
0xa7: {  	s28 =	simm.s32 $_size_execute0_lowered;
	s2 =	sadd.s32 s2, s4;
	[dreg:$0x0] =	wrdreg $0x0  }
0xa8: {  	s4 =	sshll.u32 s28, $0x1;
	[dreg:$0x2] =	wrdreg s2  }
0xa9: {  	[dreg:$0x3] =	wrdreg s4  }
0xaa: {  	[dreg:$0x4] =	wrdreg $0xC0  }
0xab: {  	_ =	task [dreg:s6], $0x5FFFF  }
0xac: {  	[dreg:$0x1] =	wrdreg $0xFFFFFFFF  }
0xad: {  	[dreg:$0x0] =	wrdreg $0x60  }
0xae: {  	[dreg:$0x2] =	wrdreg s24  }
0xaf: {  	[dreg:$0x3] =	wrdreg $0x9  }
0xb0: {  	_ =	task.clear_ibuf [dreg:s6], $0x4FFFF;
	_ =	strace $0x90000046  }
0xb1: {  	s29 =	simm.s32 $0x9;
	_ =	strace $0x80000048  }
0xb2: {  	_ =	swait.ge [sflag:s29], $0x1  }
0xb3: {  	[sflag:s29] =	ssyncadd.s32 $0xFFFFFFFF  }
0xb4: {  	_ =	strace $0x90000048  }
0xb5: {  	_ =	sfence  }
0xb6: {  	s30 =	sld [smem:$0x0];
	_ =	sdelay $0x2  }
0xb7: {  	s31 =	sshll.u32 s1, $0xD;
	s1 =	sshrl.u32 s1, $0x2  }
0xb8: {  	s3 =	sand.u32 $0x4000, s31;
	s1 =	sadd.s32 s1, s30  }
0xb9: {  	s0 =	sor.u32 s3, s0;
	s1 =	sshll.u32 s1, $0x11  }
0xba: {  	s0 =	sor.u32 s1, s0  }
0xbb: {  	s0 =	sadd.s32 $0x8F2B, s0  }
0xbc: {  	[sflag:s0] =	ssyncadd.remote.s32 $0x1  }
0xbd: {  	_ =	sfence.sel $0xFFFF  }
0xbe: {  	[dreg:$0x0] =	wrdreg $0xFFFFFFFF;
	(pc) =	sbr.abs _section_cstart, $3  }
0xbf: {  	[dreg:$0x1] =	wrdreg $0xFFFFFFFF  }
0xc0: {  	_ =	task.clear_ibuf [dreg:s6], $0x2FFFF;
	_ =	strace $0x9FFFFFFF  }
0xc1: {  	(tm) =	ssettm $0x7FFFFFFF  }
tec
execute0_lowered:
.L_overlay_start_1:
0x0: {  	(tag) =	ssettag $0x1  }
0x1: {  	s7 =	rddreg [dreg:$0x0];
	s1 =	simm.s32 $0x0  }
0x2: {  	[smem:$0x7FF] =	sst s1  }
0x3: {  	s0 =	rddreg [dreg:$0x1];
	v0 =	vimm.f32 $1.024000000e+03;
	_ =	strace $0x80000047  }
0x4: {  	(erf) = vrcp.f32 v0;
	_ =	sdelay $0x2  }
0x5: {  	s2 =	stileid.u32  }
0x6: {  	p0 =	sgt.u32 s2, $0x3  }
.Ltmp0:
0x7: {  	_ = 	snop;
	(pc) =	sbr.rel @p0 .LBB2_17-.Ltmp0, $2  }
0x8: {  	_ =	sdelay $0x2  }
0x9: {  	v0 =	vpop (erf)  }
0xa: {  	s3 =	srdreg.scid;
	s31 =	sshll.u32 s2, $0x5  }
0xb: {  	s11 =	simm.s32 $0x1;
	s12 =	simm.s32 $0x6400;
	s4 =	sand.u32 $0x1, s3  }
0xc: {  	s13 =	simm.s32 $0xC800;
	s14 =	simm.s32 $0x12C00;
	s5 =	sshll.u32 s4, $0x4  }
0xd: {  	s15 =	simm.s32 $0x19000;
	s9 =	ssub.s32 $0x2, s4;
	s8 =	sor.u32 s5, s31  }
0xe: {  	s16 =	simm.s32 $0x0;
	s10 =	sshrl.u32 s9, $0x1;
	s6 =	sadd.s32 s8, s7  }
0xf: {  	s9 =	ssub.s32 s9, s10;
	s7 =	sadd.s32 s7, s8;
	s10 =	simm.s32 $0x400  }
0x10: {  	s3 =	sadd.s32 $0x6400, s6;
	s4 =	sadd.s32 $0xC800, s6;
	s5 =	sadd.s32 $0x12C00, s6  }
0x11: {  	v1 =	vimm.s32 $0x0;
	s6 =	sadd.s32 $0x19000, s6;
	s8 =	smax.u32 s9, $0x1;
	s9 =	simm.s32 $0x80  }
.LBB2_2:
0x12: {  	s17 =	simm.s32 $0x0  }
0x13: {  	[tilespmem:s17], [sflag:$0x1] =	stream.strided.gather [hbm4b:s7+s9], $0x6400, s10, s9, $0x38;
	[tilespmem:$0x19080] =	vst v63  }
0x14: {  	_ =	swait.ge [sflag:s11], $0x6400  }
0x15: {  	[sflag:s11] =	ssyncset.done $0x0  }
0x16: {  	[sflag:s11] =	ssyncadd.s32 $0xFFFF9C00  }
0x17: {  	[tilespmem:s12], [sflag:$0x1] =	stream.strided.gather [hbm4b:s3+s9], $0x6400, s10, s9, $0x38;
	[tilespmem:$0x19080] =	vst v63  }
0x18: {  	_ =	swait.ge [sflag:s11], $0x6400  }
0x19: {  	[sflag:s11] =	ssyncset.done $0x0  }
0x1a: {  	[sflag:s11] =	ssyncadd.s32 $0xFFFF9C00  }
0x1b: {  	[tilespmem:s13], [sflag:$0x1] =	stream.strided.gather [hbm4b:s4+s9], $0x6400, s10, s9, $0x38;
	[tilespmem:$0x19080] =	vst v63  }
0x1c: {  	_ =	swait.ge [sflag:s11], $0x6400  }
0x1d: {  	[sflag:s11] =	ssyncset.done $0x0  }
0x1e: {  	[sflag:s11] =	ssyncadd.s32 $0xFFFF9C00  }
0x1f: {  	[tilespmem:s14], [sflag:$0x1] =	stream.strided.gather [hbm4b:s5+s9], $0x6400, s10, s9, $0x38;
	[tilespmem:$0x19080] =	vst v63  }
0x20: {  	_ =	swait.ge [sflag:s11], $0x6400  }
0x21: {  	[sflag:s11] =	ssyncset.done $0x0  }
0x22: {  	s18 =	simm.s32 $0x0;
	[sflag:s11] =	ssyncadd.s32 $0xFFFF9C00  }
0x23: {  	v3 =	vld [tilespmem:s18+$0x6470]  }
0x24: {  	v2 =	vld [tilespmem:s18+$0x70]  }
0x25: {  	v4 =	vld [tilespmem:s18+$0x6460]  }
0x26: {  	v10 =	vld [tilespmem:s18+$0x60]  }
0x27: {  	v6 =	vld [tilespmem:s18+$0x6450]  }
0x28: {  	v5 =	vld [tilespmem:s18+$0x50]  }
0x29: {  	v8 =	vld [tilespmem:s18+$0x6440]  }
0x2a: {  	v11 =	vimm.f32 $0.0e+00;
	s19 =	simm.s32 $0x200;
	v9 =	vimm.s32 $0x0;
	v7 =	vld [tilespmem:s18+$0x40]  }
.LBB2_3:
0x2b: {  	p0 =	sne.s32 s19, $0x18E00;
	v12 =	vld [tilespmem:s18+$0x0];
	v13 =	vmov v10  }
0x2c: {  	v10 =	vld [tilespmem:s18+$0x6400]  }
0x2d: {  	v14 =	vld [tilespmem:s18+$0x10]  }
0x2e: {  	v15 =	vld [tilespmem:s18+$0x6410]  }
0x2f: {  	v16 =	vld [tilespmem:s18+$0x20]  }
0x30: {  	vm3 =	vgt.s32 v12, $0x0;
	v17 =	vld [tilespmem:s18+$0x6420]  }
0x31: {  	v10 =	vnsel vm3, $0x0, v10;
	v18 =	vld [tilespmem:s18+$0x30]  }
0x32: {  	v10 =	vadd.f32 v10, v11;
	vm4 =	vgt.s32 v14, $0x0;
	v11 =	vld [tilespmem:s18+$0x6430]  }
0x33: {  	v19 =	vld [tilespmem:s18+$0xC800];
	v15 =	vnsel vm4, $0x0, v15  }
0x34: {  	v10 =	vadd.f32 v15, v10;
	v15 =	vld [tilespmem:s18+$0xC810];
	vm5 =	vgt.s32 v16, $0x0  }
0x35: {  	v17 =	vnsel vm5, $0x0, v17;
	v20 =	vld [tilespmem:s18+$0xC820]  }
0x36: {  	vm0 =	vgt.s32 v2, $0x0;
	v10 =	vadd.f32 v17, v10;
	vm6 =	vgt.s32 v18, $0x0;
	v17 =	vld [tilespmem:s18+$0xC830]  }
0x37: {  	vm1 =	vgt.s32 v13, $0x0;
	vm2 =	vgt.s32 v5, $0x0;
	v11 =	vnsel vm6, $0x0, v11;
	v21 =	vld [tilespmem:s18+$0xC840]  }
0x38: {  	v19 =	vsel vm3, $0xFFFFFFFF, v19;
	v10 =	vadd.f32 v11, v10;
	vm3 =	vgt.s32 v7, $0x0;
	v11 =	vld [tilespmem:s18+$0xC850]  }
0x39: {  	v9 =	vadd.s32 v9, v12;
	[tilespmem:s18+$0xC800] =	vst v19;
	v12 =	vsel vm4, $0xFFFFFFFF, v15;
	v8 =	vnsel vm3, $0x0, v8;
	v15 =	vld [tilespmem:s18+$0xC860]  }
0x3a: {  	s20 =	sshra.s32 s19, $0x2;
	v9 =	vadd.s32 v14, v9;
	[tilespmem:s18+$0xC810] =	vst v12;
	v12 =	vsel vm5, $0xFFFFFFFF, v20;
	v8 =	vadd.f32 v8, v10;
	v14 =	vld [tilespmem:s18+$0xC870]  }
0x3b: {  	v6 =	vnsel vm2, $0x0, v6;
	v9 =	vadd.s32 v16, v9;
	v19 =	vld [tilespmem:s20+$0x6470];
	[tilespmem:s18+$0xC820] =	vst v12;
	v10 =	vsel vm6, $0xFFFFFFFF, v17  }
0x3c: {  	v9 =	vadd.s32 v18, v9;
	v12 =	vld [tilespmem:s20+$0x70];
	[tilespmem:s18+$0xC830] =	vst v10;
	v10 =	vsel vm3, $0xFFFFFFFF, v21;
	v6 =	vadd.f32 v6, v8  }
0x3d: {  	v7 =	vadd.s32 v7, v9;
	v9 =	vnsel vm1, $0x0, v4;
	[tilespmem:s18+$0xC840] =	vst v10;
	v8 =	vsel vm2, $0xFFFFFFFF, v11;
	v4 =	vld [tilespmem:s20+$0x6460]  }
.Ltmp1:
0x3e: {  	v5 =	vadd.s32 v5, v7;
	v10 =	vld [tilespmem:s20+$0x60];
	[tilespmem:s18+$0xC850] =	vst v8;
	v7 =	vadd.f32 v9, v6;
	v8 =	vsel vm1, $0xFFFFFFFF, v15;
	(pc) =	sbr.rel @p0 .LBB2_3-.Ltmp1, $4  }
0x3f: {  	v9 =	vadd.s32 v13, v5;
	v13 =	vnsel vm0, $0x0, v3;
	v6 =	vld [tilespmem:s20+$0x6450];
	[tilespmem:s18+$0xC860] =	vst v8;
	v8 =	vsel vm0, $0xFFFFFFFF, v14  }
0x40: {  	v9 =	vadd.s32 v2, v9;
	v5 =	vld [tilespmem:s20+$0x50];
	v11 =	vadd.f32 v13, v7;
	[tilespmem:s18+$0xC870] =	vst v8;
	v3 =	vmov v19;
	s18 =	smov.u32 s20  }
0x41: {  	v8 =	vld [tilespmem:s18+$0x6440];
	v2 =	vmov v12  }
0x42: {  	s19 =	sadd.s32 $0x200, s19;
	v7 =	vld [tilespmem:s18+$0x40]  }
0x43: {  	v12 =	vld [tilespmem:s18+$0x0]  }
0x44: {  	v13 =	vld [tilespmem:s18+$0x6400]  }
0x45: {  	v14 =	vld [tilespmem:s18+$0x10]  }
0x46: {  	v15 =	vld [tilespmem:s18+$0x6410]  }
0x47: {  	v16 =	vld [tilespmem:s18+$0x20]  }
0x48: {  	v17 =	vld [tilespmem:s18+$0x6420];
	vm0 =	vgt.s32 v12, $0x0  }
0x49: {  	v18 =	vld [tilespmem:s18+$0x30];
	v13 =	vnsel vm0, $0x0, v13  }
0x4a: {  	v19 =	vld [tilespmem:s18+$0x6430];
	vm1 =	vgt.s32 v14, $0x0;
	v11 =	vadd.f32 v13, v11  }
0x4b: {  	v22 =	vld [tilespmem:s18+$0xC840];
	v15 =	vnsel vm1, $0x0, v15  }
0x4c: {  	v52 =	vld [tilespmem:s18+$0xC850];
	vm2 =	vgt.s32 v16, $0x0;
	v11 =	vadd.f32 v15, v11  }
0x4d: {  	v54 =	vld [tilespmem:s18+$0xC860];
	v17 =	vnsel vm2, $0x0, v17  }
0x4e: {  	vm14 =	vgt.s32 v2, $0x0;
	v56 =	vld [tilespmem:s18+$0xC870];
	vm3 =	vgt.s32 v18, $0x0;
	v11 =	vadd.f32 v17, v11  }
0x4f: {  	v20 =	vld [tilespmem:s18+$0xC800];
	vm15 =	vgt.s32 v10, $0x0;
	vm5 =	vgt.s32 v7, $0x0;
	v53 =	vnsel vm3, $0x0, v19  }
0x50: {  	v21 =	vld [tilespmem:s18+$0xC820];
	vm4 =	vgt.s32 v5, $0x0;
	v58 =	vsel vm5, $0xFFFFFFFF, v22;
	v11 =	vadd.f32 v53, v11  }
0x51: {  	v50 =	vld [tilespmem:s18+$0xC830];
	v9 =	vadd.s32 v9, v12;
	v8 =	vnsel vm5, $0x0, v8;
	v60 =	vsel vm4, $0xFFFFFFFF, v52;
	[tilespmem:s18+$0xC840] =	vst v58  }
0x52: {  	v49 =	vld [tilespmem:s18+$0xC810];
	v61 =	vsel vm15, $0xFFFFFFFF, v54;
	v9 =	vadd.s32 v14, v9;
	[tilespmem:s18+$0xC850] =	vst v60;
	v8 =	vadd.f32 v8, v11  }
0x53: {  	v6 =	vnsel vm4, $0x0, v6;
	v63 =	vsel vm14, $0xFFFFFFFF, v56;
	[tilespmem:s18+$0xC860] =	vst v61;
	v9 =	vadd.s32 v16, v9  }
0x54: {  	v51 =	vsel vm0, $0xFFFFFFFF, v20;
	[tilespmem:s18+$0xC870] =	vst v63;
	v9 =	vadd.s32 v18, v9;
	v6 =	vadd.f32 v6, v8  }
0x55: {  	v4 =	vnsel vm15, $0x0, v4;
	v55 =	vsel vm2, $0xFFFFFFFF, v21;
	[tilespmem:s18+$0xC800] =	vst v51;
	v59 =	vadd.s32 v7, v9  }
0x56: {  	v57 =	vsel vm3, $0xFFFFFFFF, v50;
	[tilespmem:s18+$0xC820] =	vst v55;
	v5 =	vadd.s32 v5, v59;
	v4 =	vadd.f32 v4, v6  }
0x57: {  	v62 =	vnsel vm14, $0x0, v3;
	v13 =	vsel vm1, $0xFFFFFFFF, v49;
	[tilespmem:s18+$0xC830] =	vst v57;
	v5 =	vadd.s32 v10, v5  }
0x58: {  	s19 =	simm.s32 $0x3F7FFFFF;
	[tilespmem:s18+$0xC810] =	vst v13;
	s18 =	simm.s32 $0x0;
	v3 =	vadd.s32 v2, v5;
	v2 =	vadd.f32 v62, v4  }
.LBB2_5:
0x59: {  	s21 =	simm.s32 $0x0  }
0x5a: {  	v6 =	vld [tilespmem:s21+$0xC840]  }
0x5b: {  	v5 =	vld [tilespmem:s21+$0xC890]  }
0x5c: {  	v7 =	vld [tilespmem:s21+$0xC850]  }
0x5d: {  	v8 =	vld [tilespmem:s21+$0xC830]  }
0x5e: {  	v9 =	vld [tilespmem:s21+$0xC800]  }
0x5f: {  	s20 =	sadd.s32 s19, s17;
	v10 =	vld [tilespmem:s21+$0xC8A0]  }
0x60: {  	s20 =	sadd.s32 $0x1, s20;
	v14 =	vld [tilespmem:s21+$0xC820]  }
0x61: {  	v16 =	vld [tilespmem:s21+$0xC870];
	s20 =	sshrl.u32 s20, $0x1  }
0x62: {  	v17 =	vld [tilespmem:s21+$0xC810];
	v4 =	vmov s20  }
0x63: {  	v13 =	vimm.s32 $0x0;
	vm0 =	vge.s32 v5, v4  }
0x64: {  	v11 =	vld [tilespmem:s21+$0xC860];
	vm1 =	vge.s32 v7, v4;
	vm2 =	vge.s32 v8, v4;
	vm3 =	vge.s32 v9, v4  }
0x65: {  	v12 =	vld [tilespmem:s21+$0xC8B0];
	vm4 =	vge.s32 v6, v4;
	v15 =	vsel vm2, $0x1, v1;
	vm2 =	vge.s32 v10, v4  }
0x66: {  	v8 =	vld [tilespmem:s21+$0xC8E0];
	v7 =	vsel vm3, $0x1, v1;
	vm3 =	vge.s32 v14, v4;
	v5 =	vsel vm0, $0x1, v1  }
0x67: {  	v6 =	vsel vm1, $0x1, v1;
	v14 =	vld [tilespmem:s21+$0xC880];
	vm1 =	vge.s32 v16, v4;
	vm0 =	vge.s32 v17, v4  }
0x68: {  	v19 =	vsel vm4, $0x1, v1;
	v16 =	vld [tilespmem:s21+$0xC8C0];
	v9 =	vsel vm2, $0x1, v1;
	v10 =	vsel vm3, $0x1, v1  }
0x69: {  	s22 =	simm.s32 $0x400;
	v18 =	vadd.s32 v7, v13;
	v7 =	vld [tilespmem:s21+$0xC8F0];
	v17 =	vadd.s32 v10, v13;
	v10 =	vimm.s32 $0x0  }
.LBB2_6:
0x6a: {  	p0 =	sne.s32 s22, $0x18C00;
	v13 =	vadd.s32 v15, v13;
	v15 =	vadd.s32 v19, v18;
	vm2 =	vge.s32 v11, v4;
	v11 =	vld [tilespmem:s21+$0xC8D0];
	s21 =	sshra.s32 s22, $0x2;
	s22 =	sadd.s32 $0x400, s22  }
0x6b: {  	v20 =	vsel vm1, $0x1, v1;
	vm1 =	vge.s32 v12, v4;
	v18 =	vld [tilespmem:s21+$0xC840];
	v19 =	vsel vm2, $0x1, v1  }
0x6c: {  	v21 =	vsel vm0, $0x1, v1;
	v13 =	vadd.s32 v20, v13;
	v12 =	vld [tilespmem:s21+$0xC890];
	vm0 =	vge.s32 v14, v4  }
0x6d: {  	v20 =	vsel vm1, $0x1, v1;
	v17 =	vadd.s32 v19, v17;
	v14 =	vld [tilespmem:s21+$0xC8A0];
	v19 =	vsel vm0, $0x1, v1  }
0x6e: {  	v13 =	vadd.s32 v20, v13;
	v22 =	vld [tilespmem:s21+$0xC850];
	v15 =	vadd.s32 v19, v15;
	vm0 =	vge.s32 v16, v4  }
0x6f: {  	v10 =	vadd.s32 v21, v10;
	v16 =	vld [tilespmem:s21+$0xC830];
	v19 =	vsel vm0, $0x1, v1;
	vm0 =	vge.s32 v8, v4  }
0x70: {  	v9 =	vadd.s32 v9, v17;
	vm1 =	vge.s32 v11, v4;
	v8 =	vld [tilespmem:s21+$0xC800];
	v11 =	vsel vm0, $0x1, v1  }
0x71: {  	v19 =	vadd.s32 v19, v15;
	v15 =	vsel vm1, $0x1, v1;
	v17 =	vld [tilespmem:s21+$0xC820];
	v20 =	vadd.s32 v11, v9  }
0x72: {  	v6 =	vadd.s32 v6, v10;
	vm1 =	vge.s32 v7, v4;
	vm0 =	vge.s32 v12, v4;
	v21 =	vld [tilespmem:s21+$0xC870]  }
0x73: {  	v5 =	vadd.s32 v5, v6;
	v6 =	vsel vm1, $0x1, v1;
	vm2 =	vge.s32 v22, v4;
	v11 =	vld [tilespmem:s21+$0xC860]  }
0x74: {  	v10 =	vadd.s32 v15, v5;
	v13 =	vadd.s32 v6, v13;
	v22 =	vld [tilespmem:s21+$0xC810];
	vm1 =	vge.s32 v16, v4  }
.Ltmp2:
0x75: {  	vm3 =	vge.s32 v8, v4;
	v15 =	vsel vm1, $0x1, v1;
	vm1 =	vge.s32 v14, v4;
	v12 =	vld [tilespmem:s21+$0xC8B0];
	(pc) =	sbr.rel @p0 .LBB2_6-.Ltmp2, $4  }
0x76: {  	v5 =	vsel vm0, $0x1, v1;
	v7 =	vsel vm3, $0x1, v1;
	vm3 =	vge.s32 v17, v4;
	v8 =	vld [tilespmem:s21+$0xC8E0]  }
0x77: {  	vm4 =	vge.s32 v18, v4;
	v6 =	vsel vm2, $0x1, v1;
	v9 =	vsel vm1, $0x1, v1;
	v14 =	vld [tilespmem:s21+$0xC880]  }
0x78: {  	v18 =	vadd.s32 v7, v19;
	v16 =	vsel vm3, $0x1, v1;
	vm1 =	vge.s32 v21, v4;
	v7 =	vld [tilespmem:s21+$0xC8F0]  }
0x79: {  	v19 =	vsel vm4, $0x1, v1;
	v17 =	vadd.s32 v16, v20;
	vm0 =	vge.s32 v22, v4;
	v16 =	vld [tilespmem:s21+$0xC8C0]  }
0x7a: {  	v13 =	vadd.s32 v15, v13;
	v50 =	vadd.s32 v19, v18;
	vm2 =	vge.s32 v11, v4  }
0x7b: {  	v51 =	vld [tilespmem:s21+$0xC8D0];
	v53 =	vsel vm1, $0x1, v1;
	vm10 =	vge.s32 v12, v4;
	v54 =	vsel vm0, $0x1, v1  }
0x7c: {  	v52 =	vsel vm2, $0x1, v1;
	v13 =	vadd.s32 v53, v13;
	v57 =	vsel vm10, $0x1, v1  }
0x7d: {  	v10 =	vadd.s32 v54, v10;
	vm13 =	vge.s32 v8, v4;
	vm11 =	vge.s32 v14, v4  }
0x7e: {  	v55 =	vadd.s32 v52, v17;
	v13 =	vadd.s32 v57, v13;
	v6 =	vadd.s32 v6, v10  }
0x7f: {  	v60 =	vsel vm13, $0x1, v1;
	v56 =	vsel vm11, $0x1, v1;
	v59 =	vadd.s32 v9, v55  }
0x80: {  	v5 =	vadd.s32 v5, v6;
	vm12 =	vge.s32 v16, v4;
	vm14 =	vge.s32 v51, v4  }
0x81: {  	v15 =	vadd.s32 v56, v50;
	v58 =	vsel vm12, $0x1, v1;
	v61 =	vsel vm14, $0x1, v1  }
0x82: {  	vm15 =	vge.s32 v7, v4;
	v62 =	vadd.s32 v58, v15;
	v4 =	vadd.s32 v61, v5  }
0x83: {  	v7 =	vsel vm15, $0x1, v1;
	v5 =	vadd.s32 v60, v59;
	v4 =	vadd.s32 v62, v4  }
0x84: {  	v63 =	vadd.s32 v7, v13;
	v4 =	vadd.s32 v5, v4  }
0x85: {  	v4 =	vadd.s32 v63, v4  }
0x86: {  	(xrf0) =	vadd.scan.msk.s32 $0xffff, v4;
	_ =	sdelay $0x5  }
0x87: {  	v4, _, _ =	vpop (xrf0)  }
0x88: {  	(v2sf) =	vpush v4, $0xF;
	_ =	sdelay $0xb  }
0x89: {  	s18 =	sadd.s32 $0x1, s18  }
0x8a: {  	p1 =	sne.s32 s18, $0x1E  }
.Ltmp3:
0x8b: {  	_ = 	snop;
	(pc) =	sbr.rel @p1 .LBB2_5-.Ltmp3, $4  }
0x8c: {  	s31 =	spop (v2sf)  }
0x8d: {  	s21 =	sadd.s32 $0xFFFFFFFF, s20;
	p0 =	sgt.s32 s31, $0x1FF  }
0x8e: {  	s21 =	smov.u32 @p0 s19  }
0x8f: {  	s17 =	smov.u32 @p0 s20;
	s19 =	smov.u32 s21  }
0x90: {  	s18 =	simm.s32 $0x0  }
0x91: {  	v4 =	vld [tilespmem:s18+$0x6470]  }
0x92: {  	v5 =	vld [tilespmem:s18+$0x6460]  }
0x93: {  	v7 =	vld [tilespmem:s18+$0xC870]  }
0x94: {  	v9 =	vld [tilespmem:s18+$0xC860]  }
0x95: {  	v8 =	vld [tilespmem:s18+$0xC850]  }
0x96: {  	v10 =	vld [tilespmem:s18+$0xC830]  }
0x97: {  	v11 =	vld [tilespmem:s18+$0xC820]  }
0x98: {  	v6 =	vmov s17;
	v12 =	vimm.f32 $0.0e+00;
	s17 =	simm.s32 $0x0;
	s19 =	simm.s32 $0x200;
	v13 =	vld [tilespmem:s18+$0xC810]  }
.LBB2_9:
0x99: {  	p0 =	sne.s32 s19, $0x18E00;
	v14 =	vld [tilespmem:s18+$0xC800]  }
0x9a: {  	v15 =	vld [tilespmem:s18+$0x6400]  }
0x9b: {  	v16 =	vld [tilespmem:s18+$0xC840]  }
0x9c: {  	v17 =	vld [tilespmem:s18+$0x6410]  }
0x9d: {  	v18 =	vld [tilespmem:s18+$0x6450]  }
0x9e: {  	vm8 =	vgt.s32 v13, $0xFFFFFFFF;
	vm9 =	vlt.s32 v14, v6;
	vm11 =	vgt.s32 v14, $0xFFFFFFFF;
	v14 =	vld [tilespmem:s18+$0x6420]  }
0x9f: {  	vm5 =	vgt.s32 v10, $0xFFFFFFFF;
	vm7 =	vgt.s32 v11, $0xFFFFFFFF;
	v15 =	vsel vm9, $0x0, v15;
	v19 =	vld [tilespmem:s18+$0x6440]  }
0xa0: {  	vm12 =	vlt.s32 v13, v6;
	v12 =	vadd.f32 v15, v12;
	v13 =	vld [tilespmem:s18+$0x6430];
	vm4 =	vgt.s32 v16, $0xFFFFFFFF  }
0xa1: {  	vm1 =	vgt.s32 v9, $0xFFFFFFFF;
	vm3 =	vgt.s32 v8, $0xFFFFFFFF;
	v15 =	vld [tilespmem:s18+$0x12C00];
	v17 =	vsel vm12, $0x0, v17  }
0xa2: {  	vm0 =	vlt.s32 v7, v6;
	vm13 =	vlt.s32 v11, v6;
	v20 =	vld [tilespmem:s18+$0x12C10];
	v12 =	vadd.f32 v17, v12  }
0xa3: {  	vm6 =	vlt.s32 v9, v6;
	vm2 =	vgt.s32 v7, $0xFFFFFFFF;
	v11 =	vld [tilespmem:s18+$0x12C20];
	v14 =	vsel vm13, $0x0, v14  }
0xa4: {  	vm10 =	vlt.s32 v8, v6;
	vm14 =	vlt.s32 v10, v6;
	v7 =	vadd.f32 v14, v12;
	v9 =	vld [tilespmem:s18+$0x12C30]  }
0xa5: {  	vm9 =	vmand vm11, vm9;
	vm11 =	vlt.s32 v16, v6;
	v8 =	vsel vm14, $0x0, v13;
	v10 =	vld [tilespmem:s18+$0x12C40]  }
0xa6: {  	vm8 =	vmand vm8, vm12;
	v12 =	vnsel vm9, $0xFFFFFFFF, v15;
	v7 =	vadd.f32 v8, v7;
	v8 =	vld [tilespmem:s18+$0x12C50]  }
0xa7: {  	vm7 =	vmand vm7, vm13;
	v13 =	vsel vm11, $0x0, v19;
	[tilespmem:s18+$0x12C00] =	vst v12;
	v12 =	vnsel vm8, $0xFFFFFFFF, v20;
	v14 =	vld [tilespmem:s18+$0x12C60]  }
0xa8: {  	s20 =	sshra.s32 s19, $0x2;
	vm5 =	vmand vm5, vm14;
	[tilespmem:s18+$0x12C10] =	vst v12;
	v11 =	vnsel vm7, $0xFFFFFFFF, v11;
	v7 =	vadd.f32 v13, v7;
	v12 =	vld [tilespmem:s18+$0x12C70]  }
0xa9: {  	vm4 =	vmand vm4, vm11;
	v13 =	vld [tilespmem:s20+$0x6470];
	[tilespmem:s18+$0x12C20] =	vst v11;
	v9 =	vnsel vm5, $0xFFFFFFFF, v9;
	v11 =	vsel vm10, $0x0, v18  }
0xaa: {  	vm3 =	vmand vm3, vm10;
	v15 =	vld [tilespmem:s20+$0x6460];
	[tilespmem:s18+$0x12C30] =	vst v9;
	v9 =	vnsel vm4, $0xFFFFFFFF, v10;
	v10 =	vadd.f32 v11, v7  }
0xab: {  	v5 =	vsel vm6, $0x0, v5;
	vm1 =	vmand vm1, vm6;
	v7 =	vld [tilespmem:s20+$0xC870];
	[tilespmem:s18+$0x12C40] =	vst v9;
	v8 =	vnsel vm3, $0xFFFFFFFF, v8  }
.Ltmp4:
0xac: {  	v9 =	vld [tilespmem:s20+$0xC860];
	[tilespmem:s18+$0x12C50] =	vst v8;
	v16 =	vadd.f32 v5, v10;
	v10 =	vnsel vm1, $0xFFFFFFFF, v14;
	vm1 =	vmand vm2, vm0;
	(pc) =	sbr.rel @p0 .LBB2_9-.Ltmp4, $4  }
0xad: {  	v14 =	vsel vm0, $0x0, v4;
	v8 =	vld [tilespmem:s20+$0xC850];
	[tilespmem:s18+$0x12C60] =	vst v10;
	v11 =	vnsel vm1, $0xFFFFFFFF, v12  }
0xae: {  	v10 =	vld [tilespmem:s20+$0xC830];
	v12 =	vadd.f32 v14, v16;
	[tilespmem:s18+$0x12C70] =	vst v11;
	v4 =	vmov v13;
	s18 =	smov.u32 s20  }
0xaf: {  	v11 =	vld [tilespmem:s18+$0xC820];
	v5 =	vmov v15  }
0xb0: {  	s19 =	sadd.s32 $0x200, s19;
	v13 =	vld [tilespmem:s18+$0xC810]  }
0xb1: {  	v14 =	vld [tilespmem:s18+$0xC800]  }
0xb2: {  	v15 =	vld [tilespmem:s18+$0x6400]  }
0xb3: {  	v16 =	vld [tilespmem:s18+$0xC840]  }
0xb4: {  	v17 =	vld [tilespmem:s18+$0x6410]  }
0xb5: {  	v18 =	vld [tilespmem:s18+$0x6450]  }
0xb6: {  	v19 =	vld [tilespmem:s18+$0x6420];
	vm1 =	vgt.s32 v9, $0xFFFFFFFF;
	vm0 =	vlt.s32 v7, v6;
	vm4 =	vlt.s32 v14, v6  }
0xb7: {  	v47 =	vld [tilespmem:s18+$0x6430];
	vm15 =	vgt.s32 v7, $0xFFFFFFFF;
	vm2 =	vgt.s32 v8, $0xFFFFFFFF;
	v46 =	vsel vm4, $0x0, v15  }
0xb8: {  	v51 =	vld [tilespmem:s18+$0x12C20];
	vm13 =	vlt.s32 v8, v6;
	vm7 =	vlt.s32 v13, v6;
	v12 =	vadd.f32 v46, v12  }
0xb9: {  	v53 =	vld [tilespmem:s18+$0x12C30];
	vm9 =	vgt.s32 v10, $0xFFFFFFFF;
	vm11 =	vlt.s32 v10, v6;
	v49 =	vsel vm7, $0x0, v17  }
0xba: {  	v20 =	vld [tilespmem:s18+$0x6440];
	vm2 =	vmand vm2, vm13;
	vm10 =	vlt.s32 v11, v6;
	v12 =	vadd.f32 v49, v12  }
0xbb: {  	v56 =	vld [tilespmem:s18+$0x12C50];
	vm8 =	vgt.s32 v11, $0xFFFFFFFF;
	vm14 =	vmand vm9, vm11;
	v52 =	vsel vm10, $0x0, v19  }
0xbc: {  	v50 =	vld [tilespmem:s18+$0x12C10];
	vm6 =	vgt.s32 v13, $0xFFFFFFFF;
	vm8 =	vmand vm8, vm10;
	v12 =	vadd.f32 v52, v12  }
0xbd: {  	v48 =	vld [tilespmem:s18+$0x12C00];
	vm5 =	vgt.s32 v14, $0xFFFFFFFF;
	v7 =	vsel vm11, $0x0, v47;
	vm12 =	vlt.s32 v16, v6  }
0xbe: {  	v54 =	vld [tilespmem:s18+$0x12C40];
	v59 =	vnsel vm8, $0xFFFFFFFF, v51;
	v60 =	vnsel vm14, $0xFFFFFFFF, v53;
	v7 =	vadd.f32 v7, v12  }
0xbf: {  	v58 =	vld [tilespmem:s18+$0x12C60];
	vm4 =	vmand vm5, vm4;
	vm5 =	vlt.s32 v9, v6;
	v6 =	vsel vm12, $0x0, v20;
	[tilespmem:s18+$0x12C20] =	vst v59  }
0xc0: {  	vm6 =	vmand vm6, vm7;
	v63 =	vnsel vm2, $0xFFFFFFFF, v56;
	[tilespmem:s18+$0x12C30] =	vst v60;
	v6 =	vadd.f32 v6, v7;
	v7 =	vld [tilespmem:s18+$0x12C70]  }
0xc1: {  	vm3 =	vgt.s32 v16, $0xFFFFFFFF;
	v61 =	vsel vm13, $0x0, v18;
	v57 =	vnsel vm6, $0xFFFFFFFF, v50;
	[tilespmem:s18+$0x12C50] =	vst v63  }
0xc2: {  	vm3 =	vmand vm3, vm12;
	v55 =	vnsel vm4, $0xFFFFFFFF, v48;
	[tilespmem:s18+$0x12C10] =	vst v57;
	v6 =	vadd.f32 v61, v6  }
0xc3: {  	v62 =	vnsel vm3, $0xFFFFFFFF, v54;
	v5 =	vsel vm5, $0x0, v5;
	vm1 =	vmand vm1, vm5;
	[tilespmem:s18+$0x12C00] =	vst v55  }
0xc4: {  	vm15 =	vmand vm15, vm0;
	[tilespmem:s18+$0x12C40] =	vst v62;
	v5 =	vadd.f32 v5, v6;
	v6 =	vnsel vm1, $0xFFFFFFFF, v58  }
0xc5: {  	v4 =	vsel vm0, $0x0, v4;
	[tilespmem:s18+$0x12C60] =	vst v6;
	v6 =	vnsel vm15, $0xFFFFFFFF, v7  }
0xc6: {  	s19 =	simm.s32 $0x3F7FFFFF;
	v4 =	vadd.f32 v4, v5;
	[tilespmem:s18+$0x12C70] =	vst v6;
	s18 =	simm.s32 $0x0  }
.LBB2_11:
0xc7: {  	s21 =	simm.s32 $0x0  }
0xc8: {  	v7 =	vld [tilespmem:s21+$0x12C40]  }
0xc9: {  	v6 =	vld [tilespmem:s21+$0x12C90]  }
0xca: {  	v8 =	vld [tilespmem:s21+$0x12C50]  }
0xcb: {  	v9 =	vld [tilespmem:s21+$0x12C30]  }
0xcc: {  	v10 =	vld [tilespmem:s21+$0x12C00]  }
0xcd: {  	s20 =	sadd.s32 s19, s17;
	v11 =	vld [tilespmem:s21+$0x12CA0]  }
0xce: {  	s20 =	sadd.s32 $0x1, s20;
	v15 =	vld [tilespmem:s21+$0x12C20]  }
0xcf: {  	v17 =	vld [tilespmem:s21+$0x12C70];
	s20 =	sshrl.u32 s20, $0x1  }
0xd0: {  	v18 =	vld [tilespmem:s21+$0x12C10];
	v5 =	vmov s20  }
0xd1: {  	v14 =	vimm.s32 $0x0;
	vm0 =	vge.s32 v6, v5  }
0xd2: {  	v12 =	vld [tilespmem:s21+$0x12C60];
	vm1 =	vge.s32 v8, v5;
	vm2 =	vge.s32 v9, v5;
	vm3 =	vge.s32 v10, v5  }
0xd3: {  	v13 =	vld [tilespmem:s21+$0x12CB0];
	vm4 =	vge.s32 v7, v5;
	v16 =	vsel vm2, $0x1, v1;
	vm2 =	vge.s32 v11, v5  }
0xd4: {  	v9 =	vld [tilespmem:s21+$0x12CE0];
	v8 =	vsel vm3, $0x1, v1;
	vm3 =	vge.s32 v15, v5;
	v6 =	vsel vm0, $0x1, v1  }
0xd5: {  	v7 =	vsel vm1, $0x1, v1;
	v15 =	vld [tilespmem:s21+$0x12C80];
	vm1 =	vge.s32 v17, v5;
	vm0 =	vge.s32 v18, v5  }
0xd6: {  	v20 =	vsel vm4, $0x1, v1;
	v17 =	vld [tilespmem:s21+$0x12CC0];
	v10 =	vsel vm2, $0x1, v1;
	v11 =	vsel vm3, $0x1, v1  }
0xd7: {  	s22 =	simm.s32 $0x400;
	v19 =	vadd.s32 v8, v14;
	v8 =	vld [tilespmem:s21+$0x12CF0];
	v18 =	vadd.s32 v11, v14;
	v11 =	vimm.s32 $0x0  }
.LBB2_12:
0xd8: {  	p0 =	sne.s32 s22, $0x18C00;
	v14 =	vadd.s32 v16, v14;
	v16 =	vadd.s32 v20, v19;
	vm2 =	vge.s32 v12, v5;
	v12 =	vld [tilespmem:s21+$0x12CD0];
	s21 =	sshra.s32 s22, $0x2;
	s22 =	sadd.s32 $0x400, s22  }
0xd9: {  	v21 =	vsel vm1, $0x1, v1;
	vm1 =	vge.s32 v13, v5;
	v19 =	vld [tilespmem:s21+$0x12C40];
	v20 =	vsel vm2, $0x1, v1  }
0xda: {  	v22 =	vsel vm0, $0x1, v1;
	v14 =	vadd.s32 v21, v14;
	v13 =	vld [tilespmem:s21+$0x12C90];
	vm0 =	vge.s32 v15, v5  }
0xdb: {  	v21 =	vsel vm1, $0x1, v1;
	v18 =	vadd.s32 v20, v18;
	v15 =	vld [tilespmem:s21+$0x12CA0];
	v20 =	vsel vm0, $0x1, v1  }
0xdc: {  	v14 =	vadd.s32 v21, v14;
	v23 =	vld [tilespmem:s21+$0x12C50];
	v16 =	vadd.s32 v20, v16;
	vm0 =	vge.s32 v17, v5  }
0xdd: {  	v11 =	vadd.s32 v22, v11;
	v17 =	vld [tilespmem:s21+$0x12C30];
	v20 =	vsel vm0, $0x1, v1;
	vm0 =	vge.s32 v9, v5  }
0xde: {  	v10 =	vadd.s32 v10, v18;
	vm1 =	vge.s32 v12, v5;
	v9 =	vld [tilespmem:s21+$0x12C00];
	v12 =	vsel vm0, $0x1, v1  }
0xdf: {  	v20 =	vadd.s32 v20, v16;
	v16 =	vsel vm1, $0x1, v1;
	v18 =	vld [tilespmem:s21+$0x12C20];
	v21 =	vadd.s32 v12, v10  }
0xe0: {  	v7 =	vadd.s32 v7, v11;
	vm1 =	vge.s32 v8, v5;
	vm0 =	vge.s32 v13, v5;
	v22 =	vld [tilespmem:s21+$0x12C70]  }
0xe1: {  	v6 =	vadd.s32 v6, v7;
	v7 =	vsel vm1, $0x1, v1;
	vm2 =	vge.s32 v23, v5;
	v12 =	vld [tilespmem:s21+$0x12C60]  }
0xe2: {  	v11 =	vadd.s32 v16, v6;
	v14 =	vadd.s32 v7, v14;
	v23 =	vld [tilespmem:s21+$0x12C10];
	vm1 =	vge.s32 v17, v5  }
.Ltmp5:
0xe3: {  	vm3 =	vge.s32 v9, v5;
	v16 =	vsel vm1, $0x1, v1;
	vm1 =	vge.s32 v15, v5;
	v13 =	vld [tilespmem:s21+$0x12CB0];
	(pc) =	sbr.rel @p0 .LBB2_12-.Ltmp5, $4  }
0xe4: {  	v6 =	vsel vm0, $0x1, v1;
	v8 =	vsel vm3, $0x1, v1;
	vm3 =	vge.s32 v18, v5;
	v9 =	vld [tilespmem:s21+$0x12CE0]  }
0xe5: {  	vm4 =	vge.s32 v19, v5;
	v7 =	vsel vm2, $0x1, v1;
	v10 =	vsel vm1, $0x1, v1;
	v15 =	vld [tilespmem:s21+$0x12C80]  }
0xe6: {  	v19 =	vadd.s32 v8, v20;
	v17 =	vsel vm3, $0x1, v1;
	vm1 =	vge.s32 v22, v5;
	v8 =	vld [tilespmem:s21+$0x12CF0]  }
0xe7: {  	v20 =	vsel vm4, $0x1, v1;
	v18 =	vadd.s32 v17, v21;
	vm0 =	vge.s32 v23, v5;
	v17 =	vld [tilespmem:s21+$0x12CC0]  }
0xe8: {  	v14 =	vadd.s32 v16, v14;
	v52 =	vadd.s32 v20, v19;
	vm2 =	vge.s32 v12, v5  }
0xe9: {  	v53 =	vld [tilespmem:s21+$0x12CD0];
	v55 =	vsel vm1, $0x1, v1;
	vm10 =	vge.s32 v13, v5;
	v56 =	vsel vm0, $0x1, v1  }
0xea: {  	v54 =	vsel vm2, $0x1, v1;
	v14 =	vadd.s32 v55, v14;
	v59 =	vsel vm10, $0x1, v1  }
0xeb: {  	v11 =	vadd.s32 v56, v11;
	vm13 =	vge.s32 v9, v5;
	vm11 =	vge.s32 v15, v5  }
0xec: {  	v57 =	vadd.s32 v54, v18;
	v14 =	vadd.s32 v59, v14;
	v7 =	vadd.s32 v7, v11  }
0xed: {  	v62 =	vsel vm13, $0x1, v1;
	v58 =	vsel vm11, $0x1, v1;
	v61 =	vadd.s32 v10, v57  }
0xee: {  	v6 =	vadd.s32 v6, v7;
	vm12 =	vge.s32 v17, v5;
	vm14 =	vge.s32 v53, v5  }
0xef: {  	v16 =	vadd.s32 v58, v52;
	v60 =	vsel vm12, $0x1, v1;
	v63 =	vsel vm14, $0x1, v1  }
0xf0: {  	vm15 =	vge.s32 v8, v5;
	v7 =	vadd.s32 v60, v16;
	v5 =	vadd.s32 v63, v6  }
0xf1: {  	v8 =	vsel vm15, $0x1, v1;
	v6 =	vadd.s32 v62, v61;
	v5 =	vadd.s32 v7, v5  }
0xf2: {  	v7 =	vadd.s32 v8, v14;
	v5 =	vadd.s32 v6, v5  }
0xf3: {  	v5 =	vadd.s32 v7, v5  }
0xf4: {  	(xrf0) =	vadd.scan.msk.s32 $0xffff, v5;
	_ =	sdelay $0x5  }
0xf5: {  	v5, _, _ =	vpop (xrf0)  }
0xf6: {  	(v2sf) =	vpush v5, $0xF;
	_ =	sdelay $0xb  }
0xf7: {  	s18 =	sadd.s32 $0x1, s18  }
0xf8: {  	p1 =	sne.s32 s18, $0x1E  }
.Ltmp6:
0xf9: {  	_ = 	snop;
	(pc) =	sbr.rel @p1 .LBB2_11-.Ltmp6, $4  }
0xfa: {  	s31 =	spop (v2sf)  }
0xfb: {  	s21 =	sadd.s32 $0xFFFFFFFF, s20;
	p0 =	sgt.s32 s31, $0x1FF  }
0xfc: {  	s21 =	smov.u32 @p0 s19  }
0xfd: {  	s17 =	smov.u32 @p0 s20;
	s19 =	smov.u32 s21  }
0xfe: {  	s19 =	simm.s32 $0x0  }
0xff: {  	v6 =	vld [tilespmem:s19+$0x12C00]  }
0x100: {  	v7 =	vld [tilespmem:s19+$0x6400]  }
0x101: {  	v8 =	vld [tilespmem:s19+$0x12C10]  }
0x102: {  	v9 =	vld [tilespmem:s19+$0x6410]  }
0x103: {  	v5 =	vmov s17;
	v10 =	vld [tilespmem:s19+$0x12C20]  }
0x104: {  	vm0 =	vlt.s32 v6, v5;
	v6 =	vld [tilespmem:s19+$0x6420]  }
0x105: {  	v11 =	vimm.f32 $0.0e+00;
	v12 =	vld [tilespmem:s19+$0x12C30];
	v7 =	vsel vm0, $0x0, v7  }
0x106: {  	vm0 =	vlt.s32 v8, v5;
	v7 =	vadd.f32 v7, v11;
	v11 =	vld [tilespmem:s19+$0x6430]  }
0x107: {  	v8 =	vsel vm0, $0x0, v9;
	v9 =	vld [tilespmem:s19+$0x12C40]  }
0x108: {  	vm0 =	vlt.s32 v10, v5;
	v10 =	vld [tilespmem:s19+$0x6440];
	v7 =	vadd.f32 v8, v7  }
0x109: {  	v13 =	vld [tilespmem:s19+$0x12C50];
	v6 =	vsel vm0, $0x0, v6  }
0x10a: {  	v8 =	vld [tilespmem:s19+$0x6450];
	vm0 =	vlt.s32 v12, v5;
	v7 =	vadd.f32 v6, v7  }
0x10b: {  	v6 =	vld [tilespmem:s19+$0x12C60];
	v11 =	vsel vm0, $0x0, v11  }
0x10c: {  	vm0 =	vlt.s32 v9, v5;
	v9 =	vld [tilespmem:s19+$0x6460];
	v11 =	vadd.f32 v11, v7  }
0x10d: {  	v10 =	vsel vm0, $0x0, v10;
	v7 =	vld [tilespmem:s19+$0x12C70]  }
0x10e: {  	s17 =	simm.s32 $0x80;
	s18 =	simm.s32 $0x400;
	vm0 =	vlt.s32 v13, v5;
	v11 =	vadd.f32 v10, v11;
	v10 =	vld [tilespmem:s19+$0x6470]  }
.LBB2_15:
0x10f: {  	p0 =	sne.s32 s18, $0x18E00;
	v12 =	vld [tilespmem:s17+$0x12C00];
	v8 =	vsel vm0, $0x0, v8  }
0x110: {  	v13 =	vld [tilespmem:s17+$0x6400];
	v8 =	vadd.f32 v8, v11;
	vm0 =	vlt.s32 v6, v5  }
0x111: {  	v6 =	vld [tilespmem:s17+$0x12C10];
	v9 =	vsel vm0, $0x0, v9  }
0x112: {  	v11 =	vld [tilespmem:s17+$0x6410];
	v8 =	vadd.f32 v9, v8;
	vm0 =	vlt.s32 v7, v5  }
0x113: {  	v7 =	vld [tilespmem:s17+$0x12C20];
	v9 =	vsel vm0, $0x0, v10  }
0x114: {  	vm0 =	vlt.s32 v12, v5;
	v10 =	vld [tilespmem:s17+$0x6420];
	v8 =	vadd.f32 v9, v8  }
0x115: {  	v9 =	vsel vm0, $0x0, v13;
	v12 =	vld [tilespmem:s17+$0x12C30]  }
0x116: {  	v8 =	vadd.f32 v9, v8;
	vm0 =	vlt.s32 v6, v5;
	v6 =	vld [tilespmem:s17+$0x6430]  }
0x117: {  	v9 =	vsel vm0, $0x0, v11;
	v11 =	vld [tilespmem:s17+$0x12C40]  }
0x118: {  	v8 =	vadd.f32 v9, v8;
	vm0 =	vlt.s32 v7, v5;
	v7 =	vld [tilespmem:s17+$0x6440]  }
0x119: {  	v9 =	vsel vm0, $0x0, v10;
	v10 =	vld [tilespmem:s17+$0x12C50]  }
.Ltmp7:
0x11a: {  	v9 =	vadd.f32 v9, v8;
	vm0 =	vlt.s32 v12, v5;
	v8 =	vld [tilespmem:s17+$0x6450];
	(pc) =	sbr.rel @p0 .LBB2_15-.Ltmp7, $4  }
0x11b: {  	v12 =	vsel vm0, $0x0, v6;
	v6 =	vld [tilespmem:s17+$0x12C60]  }
0x11c: {  	v12 =	vadd.f32 v12, v9;
	vm0 =	vlt.s32 v11, v5;
	v9 =	vld [tilespmem:s17+$0x6460]  }
0x11d: {  	v11 =	vsel vm0, $0x0, v7;
	v7 =	vld [tilespmem:s17+$0x12C70]  }
0x11e: {  	v11 =	vadd.f32 v11, v12;
	vm0 =	vlt.s32 v10, v5;
	v10 =	vld [tilespmem:s17+$0x6470];
	s17 =	sshra.s32 s18, $0x2;
	s18 =	sadd.s32 $0x200, s18  }
0x11f: {  	v12 =	vld [tilespmem:s17+$0x12C00];
	v8 =	vsel vm0, $0x0, v8  }
0x120: {  	v13 =	vld [tilespmem:s17+$0x6400];
	v8 =	vadd.f32 v8, v11;
	vm6 =	vlt.s32 v6, v5  }
0x121: {  	v41 =	vld [tilespmem:s17+$0x12C10];
	v9 =	vsel vm6, $0x0, v9  }
0x122: {  	v42 =	vld [tilespmem:s17+$0x6410];
	v8 =	vadd.f32 v9, v8;
	vm7 =	vlt.s32 v7, v5  }
0x123: {  	v43 =	vld [tilespmem:s17+$0x12C20];
	v44 =	vsel vm7, $0x0, v10  }
0x124: {  	v45 =	vld [tilespmem:s17+$0x6420];
	vm8 =	vlt.s32 v12, v5;
	v8 =	vadd.f32 v44, v8  }
0x125: {  	v47 =	vld [tilespmem:s17+$0x12C30];
	(xrf0) =	vadd.scan.msk.s32 $0xffff, v3;
	v46 =	vsel vm8, $0x0, v13  }
0x126: {  	v48 =	vld [tilespmem:s17+$0x6430];
	vm9 =	vlt.s32 v41, v5;
	v3 =	vadd.f32 v46, v8  }
0x127: {  	v50 =	vld [tilespmem:s17+$0x12C40];
	v49 =	vsel vm9, $0x0, v42  }
0x128: {  	v51 =	vld [tilespmem:s17+$0x6440];
	vm10 =	vlt.s32 v43, v5;
	v3 =	vadd.f32 v49, v3  }
0x129: {  	v53 =	vld [tilespmem:s17+$0x12C50];
	v52 =	vsel vm10, $0x0, v45  }
0x12a: {  	v54 =	vld [tilespmem:s17+$0x6450];
	vm11 =	vlt.s32 v47, v5;
	v3 =	vadd.f32 v52, v3  }
0x12b: {  	v55 =	vld [tilespmem:s17+$0x12C60];
	v6 =	vsel vm11, $0x0, v48;
	v56, _, _ =	vpop (xrf0)  }
0x12c: {  	v57 =	vld [tilespmem:s17+$0x6460];
	vm12 =	vlt.s32 v50, v5;
	(v2sf) =	vpush v56, $0xF;
	v3 =	vadd.f32 v6, v3  }
0x12d: {  	v58 =	vld [tilespmem:s17+$0x12C70];
	v7 =	vsel vm12, $0x0, v51  }
0x12e: {  	v59 =	vld [tilespmem:s17+$0x6470];
	vm13 =	vlt.s32 v53, v5;
	v3 =	vadd.f32 v7, v3  }
0x12f: {  	v8 =	vsel vm13, $0x0, v54  }
0x130: {  	vm14 =	vlt.s32 v55, v5;
	v3 =	vadd.f32 v8, v3  }
0x131: {  	(xrf2) =	vadd.scan.msk.f32 $0xffff, v2;
	v6 =	vsel vm14, $0x0, v57  }
0x132: {  	vm15 =	vlt.s32 v58, v5;
	v2 =	vadd.f32 v6, v3  }
0x133: {  	v3 =	vsel vm15, $0x0, v59  }
0x134: {  	(xrf2) =	vadd.scan.msk.f32 $0xffff, v4;
	v2 =	vadd.f32 v3, v2;
	_ =	sdelay $0x1  }
0x135: {  	(xrf2) =	vadd.scan.msk.f32 $0xffff, v2;
	_ =	sdelay $0x4  }
0x136: {  	s31 =	spop (v2sf);
	v2, _, _ =	vpop (xrf2)  }
0x137: {  	s17 =	scvt.s32.f32 s31;
	v2 =	vbroadcast v2, $0xF;
	_ =	sdelay $0x1  }
0x138: {  	v3, _, _ =	vpop (xrf2);
	v60 =	vadd.f32 s17, v2  }
0x139: {  	v3 =	vadd.f32 $1.000000010e-07, v3  }
0x13a: {  	v4 =	vadd.f32 $1.000000010e-07, v60;
	v61, _, _ =	vpop (xrf2)  }
0x13b: {  	v3 =	vbroadcast v3, $0xF;
	v5 =	vadd.f32 $1.000000010e-07, v61  }
0x13c: {  	(erf) = vrcp.f32 v4  }
0x13d: {  	(erf) = vrcp.f32 v3;
	v3 =	vbroadcast v5, $0xF;
	_ =	sdelay $0x1  }
0x13e: {  	(erf) = vrcp.f32 v3;
	_ =	sdelay $0x3  }
0x13f: {  	v2 =	vadd.f32 $1.000000010e-07, v2;
	_ =	sdelay $0x1  }
0x140: {  	v2 =	vadd.f32 v2, v2;
	v3 =	vpop (erf)  }
0x141: {  	v62 =	vpop (erf)  }
0x142: {  	v2 =	vmul.f32 v3, v2;
	v3 =	vmul.f32 $2.000000020e-07, v62  }
0x143: {  	v63 =	vpop (erf)  }
0x144: {  	v2 =	vsub.f32 $1.000000000e+00, v2;
	v3 =	vsub.f32 $1.000000000e+00, v3;
	v4 =	vmul.f32 $2.000000020e-07, v63;
	_ =	sdelay $0x1  }
0x145: {  	v2 =	vadd.f32 v3, v2;
	v4 =	vsub.f32 $1.000000000e+00, v4;
	_ =	sdelay $0x1  }
0x146: {  	v2 =	vadd.f32 v4, v2;
	_ =	sdelay $0x1  }
0x147: {  	s16 =	sadd.s32 $0x1, s16;
	v2 =	vmul.f32 v2, v0  }
0x148: {  	p0 =	sne.s32 s16, s8  }
.Ltmp8:
0x149: {  	[tilespmem:$0x19000] =	vst v2;
	(pc) =	sbr.rel @p0 .LBB2_2-.Ltmp8, $4  }
0x14a: {  	[hbm4b:s6+s1] =	stream.linear.scatter [tilespmem:s15], [sflag:$0x1], $0x80, $0x38;
	[tilespmem:$0x19080] =	vst v63  }
0x14b: {  	_ =	swait.ge [sflag:s11], $0x80  }
0x14c: {  	[sflag:s11] =	ssyncset.done $0x0  }
0x14d: {  	[sflag:s11] =	ssyncadd.s32 $0xFFFFFF80  }
.LBB2_17:
0x14e: {  	_ =	sfence.sel $0x180000  }
0x14f: {  	[bflag:$0x0] =	sbarrier.arrive $0xFFFF  }
0x150: {  	p0 =	sne.s32 s2, $0x0;
	_ =	strace $0x90000047  }
0x151: {  	s0 =	sadd.s32 @!p0 $0x100000, s0;
	[bflag:$0x2] =	sbarrier.arrive $0xFFFF  }
0x152: {  	[sflag:s0] =	ssyncadd.tile.s32 @!p0 $0x1;
	_ =	shalt  }
.Lfunc_end2:
_tile_overlayer_lowered:
.L_overlay_start_2:
0x153: {  	(tag) =	ssettag $0x2  }
0x154: {  	s0 =	rddreg [dreg:$0x0];
	s2 =	stileid.u32  }
0x155: {  	s1 =	rddreg [dreg:$0x1];
	p0 =	sne.s32 s2, $0x0  }
0x156: {  	s3 =	rddreg [dreg:$0x2];
	[bflag:$0x3] =	sbarrier.arrive $0xFFFF;
	s2 =	simm.s32 @!p0 $0x1C01  }
0x157: {  	[timem:s3], [sflag:s2] =	dma.local @!p0 [hbm:s0], s1  }
0x158: {  	s0 =	simm.s32 @!p0 $0x1  }
0x159: {  	_ =	swait.ge @!p0 [sflag:s0], s1  }
0x15a: {  	s1 =	ssub.s32 @!p0 $0x0, s1;
	[sflag:s0] =	ssyncset.done @!p0 $0x0  }
0x15b: {  	[sflag:s0] =	ssyncadd.s32 @!p0 s1  }
0x15c: {  	[bflag:$0x3] =	sbarrier.arrive $0xFFFF  }
0x15d: {  	_ =	shalt  }

</sc_bundles>
